<compile_context>
chip_gen: v7x
topology: tpu7x:2x2x1
jax: 0.10.2.dev20260603
libtpu: 0.0.44.dev20260713+nightly
codegen_flags: <defaults>
</compile_context>

<pallas_src>
import dataclasses

import jax
import jax.numpy as jnp
from jax import lax
from jax.experimental import pallas as pl
from jax.experimental.pallas import tpu as pltpu
from jax.experimental.pallas import tpu_sc as plsc

SIZE = 256
B = 64
N = 16384
NUM_PIX = SIZE * SIZE
NC = 2
NS = 16
NW = NC * NS
BPW = B // NW
L = 16


def _splat_body(c01_hbm, val_hbm, out_hbm, acc_v, c0_v, c1_v, val_v, sem):
    wid = lax.axis_index("s") * NC + lax.axis_index("c")
    zeros = jnp.zeros((L,), jnp.float32)

    for r in range(BPW):
        b = wid * BPW + r

        cp0 = pltpu.async_copy(c01_hbm.at[0, b], c0_v, sem)
        cp1 = pltpu.async_copy(c01_hbm.at[1, b], c1_v, sem)
        cp2 = pltpu.async_copy(val_hbm.at[b], val_v, sem)

        @pl.loop(0, NUM_PIX, step=4 * L)
        def _(i):
            acc_v[pl.ds(i, L)] = zeros
            acc_v[pl.ds(i + L, L)] = zeros
            acc_v[pl.ds(i + 2 * L, L)] = zeros
            acc_v[pl.ds(i + 3 * L, L)] = zeros

        cp0.wait()
        cp1.wait()
        cp2.wait()

        def _points(i):
            c0 = c0_v[pl.ds(i, L)]
            c1 = c1_v[pl.ds(i, L)]
            v = val_v[pl.ds(i, L)]
            f0 = c0.astype(jnp.int32)
            f1 = c1.astype(jnp.int32)
            fr0 = c0 - f0.astype(jnp.float32)
            fr1 = c1 - f1.astype(jnp.float32)
            bv = fr0 * v
            av = v - bv
            p_fc = av * fr1
            p_ff = av - p_fc
            p_cc = bv * fr1
            p_cf = bv - p_cc
            i_ff = f0 * SIZE + f1
            plsc.addupdate_scatter(acc_v, [i_ff], p_ff)
            plsc.addupdate_scatter(acc_v, [i_ff + 1], p_fc)
            plsc.addupdate_scatter(acc_v, [i_ff + SIZE], p_cf)
            plsc.addupdate_scatter(acc_v, [i_ff + SIZE + 1], p_cc)

        @plsc.parallel_loop(0, N, step=L, unroll=2)
        def _(i):
            _points(i)

        pltpu.sync_copy(acc_v.at[pl.ds(0, NUM_PIX)], out_hbm.at[b])


def kernel(values, coord):
    c01 = jnp.maximum(jnp.transpose(coord, (2, 0, 1)), 0.0)
    mesh = plsc.VectorSubcoreMesh(core_axis_name="c", subcore_axis_name="s")
    cp = pltpu.CompilerParams()
    if "needs_layout_passes" in pltpu.CompilerParams.__dataclass_fields__:
        cp = dataclasses.replace(cp, needs_layout_passes=False)
    splat = pl.kernel(
        _splat_body,
        out_type=jax.ShapeDtypeStruct((B, NUM_PIX), jnp.float32),
        mesh=mesh,
        scratch_types=[
            pltpu.VMEM((NUM_PIX + 2 * SIZE,), jnp.float32),
            pltpu.VMEM((N,), jnp.float32),
            pltpu.VMEM((N,), jnp.float32),
            pltpu.VMEM((N,), jnp.float32),
            pltpu.SemaphoreType.DMA,
        ],
        compiler_params=cp,
    )
    img = splat(c01, values)
    return img.reshape(B, 1, SIZE, SIZE)

# --- scband reference (transcript-rebuilt; emitter-appended) ---
"""Pipeline reference for scband-to-image2-d-42992622633406 (READ-ONLY COPY).

The authoritative reference and input builder live on the scoring server;
editing this copy changes nothing except your own understanding.
"""

import jax, jax.numpy as jnp
import numpy as np

SIZE = 256
B = 64
N = 16384

def setup_inputs(seed: int = 0) -> dict:
    key = jax.random.key(seed)
    k1, k2 = jax.random.split(key)
    values = jax.random.uniform(k1, (B, N), dtype=jnp.float32)
    # coord must lie in [0, SIZE-1] so that ceil() stays in-range
    coord = jax.random.uniform(k2, (B, N, 2), dtype=jnp.float32) * (SIZE - 1)
    return {"values": values, "coord": coord}

def reference(values, coord):
    size = SIZE
    batch = coord.shape[0]
    coord_0 = coord[:, :, 0]
    coord_0_f = jnp.floor(coord_0).astype(jnp.int64)
    coord_0_c = jnp.ceil(coord_0).astype(jnp.int64)
    coord_1 = coord[:, :, 1]
    coord_1_f = jnp.floor(coord_1).astype(jnp.int64)
    coord_1_c = jnp.ceil(coord_1).astype(jnp.int64)
    indexes_ff = coord_0_f * size + coord_1_f
    indexes_fc = coord_0_f * size + coord_1_c
    indexes_cf = coord_0_c * size + coord_1_f
    indexes_cc = coord_0_c * size + coord_1_c
    diff0c = jnp.abs(coord_0 - coord_0_c.astype(coord_0.dtype))
    diff0c = jnp.where(coord_0_c == coord_0_f, jnp.ones_like(diff0c), diff0c)
    diff1c = jnp.abs(coord_1 - coord_1_c.astype(coord_1.dtype))
    diff1c = jnp.where(coord_1_c == coord_1_f, jnp.ones_like(diff1c), diff1c)
    diff0f = jnp.abs(coord_0 - coord_0_f.astype(coord_0.dtype))
    diff1f = jnp.abs(coord_1 - coord_1_f.astype(coord_1.dtype))
    prob_ff = diff0c * diff1c * values
    prob_fc = diff0c * diff1f * values
    prob_cf = diff0f * diff1c * values
    prob_cc = diff0f * diff1f * values
    img = jnp.zeros((batch, size * size), dtype=jnp.float32)
    bidx = jnp.broadcast_to(jnp.arange(batch)[:, None], indexes_ff.shape)
    img = img.at[bidx, indexes_ff].add(prob_ff)
    img = img.at[bidx, indexes_fc].add(prob_fc)
    img = img.at[bidx, indexes_cf].add(prob_cf)
    img = img.at[bidx, indexes_cc].add(prob_cc)
    return img.reshape(batch, 1, size, size)

if __name__ == "__main__":
    import jax
    _d = setup_inputs()
    print(jax.jit(kernel)(*tuple(_d.values())))

</pallas_src>

<mosaic_0001>
#map = affine_map<(d0, d1) -> (0, 0, 0)>
#map1 = affine_map<(d0, d1) -> (0, 0)>
module attributes {stable_mosaic.version = 14 : i64} {
  func.func @_splat_body(%arg0: i32, %arg1: i32, %arg2: memref<2x64x16384xf32, #tpu.memory_space<hbm>>, %arg3: memref<64x16384xf32, #tpu.memory_space<hbm>>, %arg4: memref<64x65536xf32, #tpu.memory_space<hbm>>, %arg5: memref<66048xf32, #tpu.memory_space<vmem>>, %arg6: memref<16384xf32, #tpu.memory_space<vmem>>, %arg7: memref<16384xf32, #tpu.memory_space<vmem>>, %arg8: memref<16384xf32, #tpu.memory_space<vmem>>, %arg9: memref<!tpu.dma_semaphore, #tpu.memory_space<semaphore_mem>>) attributes {dimension_semantics = [#tpu.dimension_semantics<core_parallel>, #tpu.dimension_semantics<subcore_parallel>], iteration_bounds = array<i64: 2, 16>, scalar_prefetch = 0 : i64, scratch_operands = 5 : i64, tpu.core_type = #tpu.core_type<sc_vector_subcore>, window_params = [{transform_indices = #map}, {transform_indices = #map1}, {transform_indices = #map1}]} {
    %mul3A = arith.constant 2 : i32
    %mul3A_0 = arith.muli %arg1, %mul3A : i32
    %add3A = arith.addi %mul3A_0, %arg0 : i32
    %broadcast_in_dim3A = arith.constant 0.000000e+00 : f32
    %broadcast_in_dim3A_1 = vector.broadcast %broadcast_in_dim3A : f32 to vector<16xf32>
    %mul3A_2 = arith.constant 2 : i32
    %mul3A_3 = arith.muli %add3A, %mul3A_2 : i32
    %add3A_4 = arith.constant 0 : i32
    %add3A_5 = arith.addi %mul3A_3, %add3A_4 : i32
    %dma_start3A = arith.constant 0 : i32
    %dma_start3A_6 = arith.constant 0 : i32
    %dma_start3A_7 = tpu.memref_slice %arg2[%dma_start3A, %add3A_5, %dma_start3A_6] : memref<2x64x16384xf32, #tpu.memory_space<hbm>> -> memref<1x1x16384xf32, #tpu.memory_space<hbm>>
    %dma_start3A_8 = tpu.memref_squeeze %dma_start3A_7 : memref<1x1x16384xf32, #tpu.memory_space<hbm>> -> memref<16384xf32, #tpu.memory_space<hbm>>
    %dma_start3A_9 = arith.constant 0 : i32
    %dma_start3A_10 = tpu.memref_slice %arg2[%dma_start3A, %add3A_5, %dma_start3A_9] : memref<2x64x16384xf32, #tpu.memory_space<hbm>> -> memref<1x1x16384xf32, #tpu.memory_space<hbm>>
    %dma_start3A_11 = tpu.memref_squeeze %dma_start3A_10 : memref<1x1x16384xf32, #tpu.memory_space<hbm>> -> memref<16384xf32, #tpu.memory_space<hbm>>
    tpu.enqueue_dma source(%dma_start3A_11 : memref<16384xf32, #tpu.memory_space<hbm>>) target(%arg6 : memref<16384xf32, #tpu.memory_space<vmem>>) target_semaphore(%arg9 : memref<!tpu.dma_semaphore, #tpu.memory_space<semaphore_mem>>)
    %dma_start3A_12 = arith.constant 1 : i32
    %dma_start3A_13 = arith.constant 0 : i32
    %dma_start3A_14 = tpu.memref_slice %arg2[%dma_start3A_12, %add3A_5, %dma_start3A_13] : memref<2x64x16384xf32, #tpu.memory_space<hbm>> -> memref<1x1x16384xf32, #tpu.memory_space<hbm>>
    %dma_start3A_15 = tpu.memref_squeeze %dma_start3A_14 : memref<1x1x16384xf32, #tpu.memory_space<hbm>> -> memref<16384xf32, #tpu.memory_space<hbm>>
    %dma_start3A_16 = arith.constant 0 : i32
    %dma_start3A_17 = tpu.memref_slice %arg2[%dma_start3A_12, %add3A_5, %dma_start3A_16] : memref<2x64x16384xf32, #tpu.memory_space<hbm>> -> memref<1x1x16384xf32, #tpu.memory_space<hbm>>
    %dma_start3A_18 = tpu.memref_squeeze %dma_start3A_17 : memref<1x1x16384xf32, #tpu.memory_space<hbm>> -> memref<16384xf32, #tpu.memory_space<hbm>>
    tpu.enqueue_dma source(%dma_start3A_18 : memref<16384xf32, #tpu.memory_space<hbm>>) target(%arg7 : memref<16384xf32, #tpu.memory_space<vmem>>) target_semaphore(%arg9 : memref<!tpu.dma_semaphore, #tpu.memory_space<semaphore_mem>>)
    %dma_start3A_19 = arith.constant 0 : i32
    %dma_start3A_20 = tpu.memref_slice %arg3[%add3A_5, %dma_start3A_19] : memref<64x16384xf32, #tpu.memory_space<hbm>> -> memref<1x16384xf32, #tpu.memory_space<hbm>>
    %dma_start3A_21 = tpu.memref_squeeze %dma_start3A_20 : memref<1x16384xf32, #tpu.memory_space<hbm>> -> memref<16384xf32, #tpu.memory_space<hbm>>
    %dma_start3A_22 = arith.constant 0 : i32
    %dma_start3A_23 = tpu.memref_slice %arg3[%add3A_5, %dma_start3A_22] : memref<64x16384xf32, #tpu.memory_space<hbm>> -> memref<1x16384xf32, #tpu.memory_space<hbm>>
    %dma_start3A_24 = tpu.memref_squeeze %dma_start3A_23 : memref<1x16384xf32, #tpu.memory_space<hbm>> -> memref<16384xf32, #tpu.memory_space<hbm>>
    tpu.enqueue_dma source(%dma_start3A_24 : memref<16384xf32, #tpu.memory_space<hbm>>) target(%arg8 : memref<16384xf32, #tpu.memory_space<vmem>>) target_semaphore(%arg9 : memref<!tpu.dma_semaphore, #tpu.memory_space<semaphore_mem>>)
    %scan3A = arith.constant 0 : i32
    %scan3A_25 = arith.constant 1024 : i32
    %scan3A_26 = arith.addi %scan3A, %scan3A_25 : i32
    %scan3A_27 = arith.constant 1 : i32
    scf.for %scan3A_102 = %scan3A to %scan3A_26 step %scan3A_27  : i32 {
      %mul3A_103 = arith.constant 64 : i32
      %mul3A_104 = arith.muli %scan3A_102, %mul3A_103 : i32
      %add3A_105 = arith.constant 0 : i32
      %add3A_106 = arith.addi %add3A_105, %mul3A_104 : i32
      %swap3A = arith.index_cast %add3A_106 : i32 to index
      %swap3A_107 = tpu.vector_load %arg5[%swap3A] {strides = array<i32>} : memref<66048xf32, #tpu.memory_space<vmem>>, vector<16xf32>,
      tpu.vector_store %arg5[%swap3A], %broadcast_in_dim3A_1 {strides = array<i32>} : memref<66048xf32, #tpu.memory_space<vmem>>, vector<16xf32>,
      %add3A_108 = arith.constant 16 : i32
      %add3A_109 = arith.addi %add3A_106, %add3A_108 : i32
      %swap3A_110 = arith.index_cast %add3A_109 : i32 to index
      %swap3A_111 = tpu.vector_load %arg5[%swap3A_110] {strides = array<i32>} : memref<66048xf32, #tpu.memory_space<vmem>>, vector<16xf32>,
      tpu.vector_store %arg5[%swap3A_110], %broadcast_in_dim3A_1 {strides = array<i32>} : memref<66048xf32, #tpu.memory_space<vmem>>, vector<16xf32>,
      %add3A_112 = arith.constant 32 : i32
      %add3A_113 = arith.addi %add3A_106, %add3A_112 : i32
      %swap3A_114 = arith.index_cast %add3A_113 : i32 to index
      %swap3A_115 = tpu.vector_load %arg5[%swap3A_114] {strides = array<i32>} : memref<66048xf32, #tpu.memory_space<vmem>>, vector<16xf32>,
      tpu.vector_store %arg5[%swap3A_114], %broadcast_in_dim3A_1 {strides = array<i32>} : memref<66048xf32, #tpu.memory_space<vmem>>, vector<16xf32>,
      %add3A_116 = arith.constant 48 : i32
      %add3A_117 = arith.addi %add3A_106, %add3A_116 : i32
      %swap3A_118 = arith.index_cast %add3A_117 : i32 to index
      %swap3A_119 = tpu.vector_load %arg5[%swap3A_118] {strides = array<i32>} : memref<66048xf32, #tpu.memory_space<vmem>>, vector<16xf32>,
      tpu.vector_store %arg5[%swap3A_118], %broadcast_in_dim3A_1 {strides = array<i32>} : memref<66048xf32, #tpu.memory_space<vmem>>, vector<16xf32>,
    }
    %scan3A_28 = arith.constant 1024 : i32
    %dma_wait3A = arith.constant 0 : i32
    %dma_wait3A_29 = arith.constant 0 : i32
    %dma_wait3A_30 = tpu.memref_slice %arg2[%dma_wait3A, %add3A_5, %dma_wait3A_29] : memref<2x64x16384xf32, #tpu.memory_space<hbm>> -> memref<1x1x16384xf32, #tpu.memory_space<hbm>>
    %dma_wait3A_31 = tpu.memref_squeeze %dma_wait3A_30 : memref<1x1x16384xf32, #tpu.memory_space<hbm>> -> memref<16384xf32, #tpu.memory_space<hbm>>
    %dma_wait3A_32 = arith.constant 0 : i32
    %dma_wait3A_33 = tpu.memref_slice %arg2[%dma_wait3A, %add3A_5, %dma_wait3A_32] : memref<2x64x16384xf32, #tpu.memory_space<hbm>> -> memref<1x1x16384xf32, #tpu.memory_space<hbm>>
    %dma_wait3A_34 = tpu.memref_squeeze %dma_wait3A_33 : memref<1x1x16384xf32, #tpu.memory_space<hbm>> -> memref<16384xf32, #tpu.memory_space<hbm>>
    tpu.wait_dma2 semaphore(%arg9 : memref<!tpu.dma_semaphore, #tpu.memory_space<semaphore_mem>>) src(%dma_wait3A_34 : memref<16384xf32, #tpu.memory_space<hbm>>) dst(%arg6 : memref<16384xf32, #tpu.memory_space<vmem>>)
    %dma_wait3A_35 = arith.constant 1 : i32
    %dma_wait3A_36 = arith.constant 0 : i32
    %dma_wait3A_37 = tpu.memref_slice %arg2[%dma_wait3A_35, %add3A_5, %dma_wait3A_36] : memref<2x64x16384xf32, #tpu.memory_space<hbm>> -> memref<1x1x16384xf32, #tpu.memory_space<hbm>>
    %dma_wait3A_38 = tpu.memref_squeeze %dma_wait3A_37 : memref<1x1x16384xf32, #tpu.memory_space<hbm>> -> memref<16384xf32, #tpu.memory_space<hbm>>
    %dma_wait3A_39 = arith.constant 0 : i32
    %dma_wait3A_40 = tpu.memref_slice %arg2[%dma_wait3A_35, %add3A_5, %dma_wait3A_39] : memref<2x64x16384xf32, #tpu.memory_space<hbm>> -> memref<1x1x16384xf32, #tpu.memory_space<hbm>>
    %dma_wait3A_41 = tpu.memref_squeeze %dma_wait3A_40 : memref<1x1x16384xf32, #tpu.memory_space<hbm>> -> memref<16384xf32, #tpu.memory_space<hbm>>
    tpu.wait_dma2 semaphore(%arg9 : memref<!tpu.dma_semaphore, #tpu.memory_space<semaphore_mem>>) src(%dma_wait3A_41 : memref<16384xf32, #tpu.memory_space<hbm>>) dst(%arg7 : memref<16384xf32, #tpu.memory_space<vmem>>)
    %dma_wait3A_42 = arith.constant 0 : i32
    %dma_wait3A_43 = tpu.memref_slice %arg3[%add3A_5, %dma_wait3A_42] : memref<64x16384xf32, #tpu.memory_space<hbm>> -> memref<1x16384xf32, #tpu.memory_space<hbm>>
    %dma_wait3A_44 = tpu.memref_squeeze %dma_wait3A_43 : memref<1x16384xf32, #tpu.memory_space<hbm>> -> memref<16384xf32, #tpu.memory_space<hbm>>
    %dma_wait3A_45 = arith.constant 0 : i32
    %dma_wait3A_46 = tpu.memref_slice %arg3[%add3A_5, %dma_wait3A_45] : memref<64x16384xf32, #tpu.memory_space<hbm>> -> memref<1x16384xf32, #tpu.memory_space<hbm>>
    %dma_wait3A_47 = tpu.memref_squeeze %dma_wait3A_46 : memref<1x16384xf32, #tpu.memory_space<hbm>> -> memref<16384xf32, #tpu.memory_space<hbm>>
    tpu.wait_dma2 semaphore(%arg9 : memref<!tpu.dma_semaphore, #tpu.memory_space<semaphore_mem>>) src(%dma_wait3A_47 : memref<16384xf32, #tpu.memory_space<hbm>>) dst(%arg8 : memref<16384xf32, #tpu.memory_space<vmem>>)
    %parallel_loop3A = arith.constant 0 : i32
    %parallel_loop3A_48 = arith.constant 16384 : i32
    %parallel_loop3A_49 = arith.constant 16 : i32
    scf.for %parallel_loop3A_102 = %parallel_loop3A to %parallel_loop3A_48 step %parallel_loop3A_49  : i32 {
      %parallel_loop3A_103 = arith.index_cast %parallel_loop3A_102 : i32 to index
      %parallel_loop3A_104 = tpu.vector_load %arg6[%parallel_loop3A_103] {strides = array<i32>} : memref<16384xf32, #tpu.memory_space<vmem>>, vector<16xf32>,
      %parallel_loop3A_105 = arith.index_cast %parallel_loop3A_102 : i32 to index
      %parallel_loop3A_106 = tpu.vector_load %arg7[%parallel_loop3A_105] {strides = array<i32>} : memref<16384xf32, #tpu.memory_space<vmem>>, vector<16xf32>,
      %parallel_loop3A_107 = arith.index_cast %parallel_loop3A_102 : i32 to index
      %parallel_loop3A_108 = tpu.vector_load %arg8[%parallel_loop3A_107] {strides = array<i32>} : memref<16384xf32, #tpu.memory_space<vmem>>, vector<16xf32>,
      %parallel_loop3A_109 = arith.fptosi %parallel_loop3A_104 : vector<16xf32> to vector<16xi32>
      %parallel_loop3A_110 = arith.fptosi %parallel_loop3A_106 : vector<16xf32> to vector<16xi32>
      %parallel_loop3A_111 = arith.sitofp %parallel_loop3A_109 : vector<16xi32> to vector<16xf32>
      %parallel_loop3A_112 = arith.subf %parallel_loop3A_104, %parallel_loop3A_111 : vector<16xf32>
      %parallel_loop3A_113 = arith.sitofp %parallel_loop3A_110 : vector<16xi32> to vector<16xf32>
      %parallel_loop3A_114 = arith.subf %parallel_loop3A_106, %parallel_loop3A_113 : vector<16xf32>
      %parallel_loop3A_115 = arith.mulf %parallel_loop3A_112, %parallel_loop3A_108 : vector<16xf32>
      %parallel_loop3A_116 = arith.subf %parallel_loop3A_108, %parallel_loop3A_115 : vector<16xf32>
      %parallel_loop3A_117 = arith.mulf %parallel_loop3A_116, %parallel_loop3A_114 : vector<16xf32>
      %parallel_loop3A_118 = arith.subf %parallel_loop3A_116, %parallel_loop3A_117 : vector<16xf32>
      %parallel_loop3A_119 = arith.mulf %parallel_loop3A_115, %parallel_loop3A_114 : vector<16xf32>
      %parallel_loop3A_120 = arith.subf %parallel_loop3A_115, %parallel_loop3A_119 : vector<16xf32>
      %parallel_loop3A_121 = arith.constant 256 : i32
      %parallel_loop3A_122 = vector.broadcast %parallel_loop3A_121 : i32 to vector<16xi32>
      %parallel_loop3A_123 = arith.muli %parallel_loop3A_109, %parallel_loop3A_122 : vector<16xi32>
      %parallel_loop3A_124 = arith.addi %parallel_loop3A_123, %parallel_loop3A_110 : vector<16xi32>
      tpu.vector_store_idx %arg5[%parallel_loop3A_124], %parallel_loop3A_118 {add = true} : memref<66048xf32, #tpu.memory_space<vmem>>[vector<16xi32>], vector<16xf32>,
      %parallel_loop3A_125 = arith.constant 1 : i32
      %parallel_loop3A_126 = vector.broadcast %parallel_loop3A_125 : i32 to vector<16xi32>
      %parallel_loop3A_127 = arith.addi %parallel_loop3A_124, %parallel_loop3A_126 : vector<16xi32>
      tpu.vector_store_idx %arg5[%parallel_loop3A_127], %parallel_loop3A_117 {add = true} : memref<66048xf32, #tpu.memory_space<vmem>>[vector<16xi32>], vector<16xf32>,
      %parallel_loop3A_128 = arith.constant 256 : i32
      %parallel_loop3A_129 = vector.broadcast %parallel_loop3A_128 : i32 to vector<16xi32>
      %parallel_loop3A_130 = arith.addi %parallel_loop3A_124, %parallel_loop3A_129 : vector<16xi32>
      tpu.vector_store_idx %arg5[%parallel_loop3A_130], %parallel_loop3A_120 {add = true} : memref<66048xf32, #tpu.memory_space<vmem>>[vector<16xi32>], vector<16xf32>,
      %parallel_loop3A_131 = arith.constant 256 : i32
      %parallel_loop3A_132 = vector.broadcast %parallel_loop3A_131 : i32 to vector<16xi32>
      %parallel_loop3A_133 = arith.addi %parallel_loop3A_124, %parallel_loop3A_132 : vector<16xi32>
      %parallel_loop3A_134 = arith.constant 1 : i32
      %parallel_loop3A_135 = vector.broadcast %parallel_loop3A_134 : i32 to vector<16xi32>
      %parallel_loop3A_136 = arith.addi %parallel_loop3A_133, %parallel_loop3A_135 : vector<16xi32>
      tpu.vector_store_idx %arg5[%parallel_loop3A_136], %parallel_loop3A_119 {add = true} : memref<66048xf32, #tpu.memory_space<vmem>>[vector<16xi32>], vector<16xf32>,
    } {sc.loop_unroll_factor = 2 : i64, sc.parallel_access}
    "tpu.region"() ({
      %run_scoped3A = tpu.sem_alloc : memref<!tpu.dma_semaphore, #tpu.memory_space<semaphore_mem>>
      %dma_start3A_102 = arith.constant 0 : i32
      %dma_start3A_103 = tpu.memref_slice %arg5[%dma_start3A_102] : memref<66048xf32, #tpu.memory_space<vmem>> -> memref<65536xf32, #tpu.memory_space<vmem>>
      %dma_start3A_104 = arith.constant 0 : i32
      %dma_start3A_105 = tpu.memref_slice %arg4[%add3A_5, %dma_start3A_104] : memref<64x65536xf32, #tpu.memory_space<hbm>> -> memref<1x65536xf32, #tpu.memory_space<hbm>>
      %dma_start3A_106 = tpu.memref_squeeze %dma_start3A_105 : memref<1x65536xf32, #tpu.memory_space<hbm>> -> memref<65536xf32, #tpu.memory_space<hbm>>
      %dma_start3A_107 = arith.constant 0 : i32
      %dma_start3A_108 = tpu.memref_slice %arg4[%add3A_5, %dma_start3A_107] : memref<64x65536xf32, #tpu.memory_space<hbm>> -> memref<1x65536xf32, #tpu.memory_space<hbm>>
      %dma_start3A_109 = tpu.memref_squeeze %dma_start3A_108 : memref<1x65536xf32, #tpu.memory_space<hbm>> -> memref<65536xf32, #tpu.memory_space<hbm>>
      %dma_start3A_110 = arith.constant 0 : i32
      %dma_start3A_111 = tpu.memref_slice %arg5[%dma_start3A_110] : memref<66048xf32, #tpu.memory_space<vmem>> -> memref<65536xf32, #tpu.memory_space<vmem>>
      tpu.enqueue_dma source(%dma_start3A_111 : memref<65536xf32, #tpu.memory_space<vmem>>) target(%dma_start3A_109 : memref<65536xf32, #tpu.memory_space<hbm>>) target_semaphore(%run_scoped3A : memref<!tpu.dma_semaphore, #tpu.memory_space<semaphore_mem>>)
      %dma_wait3A_112 = arith.constant 0 : i32
      %dma_wait3A_113 = tpu.memref_slice %arg5[%dma_wait3A_112] : memref<66048xf32, #tpu.memory_space<vmem>> -> memref<65536xf32, #tpu.memory_space<vmem>>
      %dma_wait3A_114 = arith.constant 0 : i32
      %dma_wait3A_115 = tpu.memref_slice %arg4[%add3A_5, %dma_wait3A_114] : memref<64x65536xf32, #tpu.memory_space<hbm>> -> memref<1x65536xf32, #tpu.memory_space<hbm>>
      %dma_wait3A_116 = tpu.memref_squeeze %dma_wait3A_115 : memref<1x65536xf32, #tpu.memory_space<hbm>> -> memref<65536xf32, #tpu.memory_space<hbm>>
      %dma_wait3A_117 = arith.constant 0 : i32
      %dma_wait3A_118 = tpu.memref_slice %arg4[%add3A_5, %dma_wait3A_117] : memref<64x65536xf32, #tpu.memory_space<hbm>> -> memref<1x65536xf32, #tpu.memory_space<hbm>>
      %dma_wait3A_119 = tpu.memref_squeeze %dma_wait3A_118 : memref<1x65536xf32, #tpu.memory_space<hbm>> -> memref<65536xf32, #tpu.memory_space<hbm>>
      %dma_wait3A_120 = arith.constant 0 : i32
      %dma_wait3A_121 = tpu.memref_slice %arg5[%dma_wait3A_120] : memref<66048xf32, #tpu.memory_space<vmem>> -> memref<65536xf32, #tpu.memory_space<vmem>>
      tpu.wait_dma2 semaphore(%run_scoped3A : memref<!tpu.dma_semaphore, #tpu.memory_space<semaphore_mem>>) src(%dma_wait3A_121 : memref<65536xf32, #tpu.memory_space<vmem>>) dst(%dma_wait3A_119 : memref<65536xf32, #tpu.memory_space<hbm>>)
      tpu.yield
    }) : () -> ()
    %mul3A_50 = arith.constant 2 : i32
    %mul3A_51 = arith.muli %add3A, %mul3A_50 : i32
    %add3A_52 = arith.constant 1 : i32
    %add3A_53 = arith.addi %mul3A_51, %add3A_52 : i32
    %dma_start3A_54 = arith.constant 0 : i32
    %dma_start3A_55 = arith.constant 0 : i32
    %dma_start3A_56 = tpu.memref_slice %arg2[%dma_start3A_54, %add3A_53, %dma_start3A_55] : memref<2x64x16384xf32, #tpu.memory_space<hbm>> -> memref<1x1x16384xf32, #tpu.memory_space<hbm>>
    %dma_start3A_57 = tpu.memref_squeeze %dma_start3A_56 : memref<1x1x16384xf32, #tpu.memory_space<hbm>> -> memref<16384xf32, #tpu.memory_space<hbm>>
    %dma_start3A_58 = arith.constant 0 : i32
    %dma_start3A_59 = tpu.memref_slice %arg2[%dma_start3A_54, %add3A_53, %dma_start3A_58] : memref<2x64x16384xf32, #tpu.memory_space<hbm>> -> memref<1x1x16384xf32, #tpu.memory_space<hbm>>
    %dma_start3A_60 = tpu.memref_squeeze %dma_start3A_59 : memref<1x1x16384xf32, #tpu.memory_space<hbm>> -> memref<16384xf32, #tpu.memory_space<hbm>>
    tpu.enqueue_dma source(%dma_start3A_60 : memref<16384xf32, #tpu.memory_space<hbm>>) target(%arg6 : memref<16384xf32, #tpu.memory_space<vmem>>) target_semaphore(%arg9 : memref<!tpu.dma_semaphore, #tpu.memory_space<semaphore_mem>>)
    %dma_start3A_61 = arith.constant 1 : i32
    %dma_start3A_62 = arith.constant 0 : i32
    %dma_start3A_63 = tpu.memref_slice %arg2[%dma_start3A_61, %add3A_53, %dma_start3A_62] : memref<2x64x16384xf32, #tpu.memory_space<hbm>> -> memref<1x1x16384xf32, #tpu.memory_space<hbm>>
    %dma_start3A_64 = tpu.memref_squeeze %dma_start3A_63 : memref<1x1x16384xf32, #tpu.memory_space<hbm>> -> memref<16384xf32, #tpu.memory_space<hbm>>
    %dma_start3A_65 = arith.constant 0 : i32
    %dma_start3A_66 = tpu.memref_slice %arg2[%dma_start3A_61, %add3A_53, %dma_start3A_65] : memref<2x64x16384xf32, #tpu.memory_space<hbm>> -> memref<1x1x16384xf32, #tpu.memory_space<hbm>>
    %dma_start3A_67 = tpu.memref_squeeze %dma_start3A_66 : memref<1x1x16384xf32, #tpu.memory_space<hbm>> -> memref<16384xf32, #tpu.memory_space<hbm>>
    tpu.enqueue_dma source(%dma_start3A_67 : memref<16384xf32, #tpu.memory_space<hbm>>) target(%arg7 : memref<16384xf32, #tpu.memory_space<vmem>>) target_semaphore(%arg9 : memref<!tpu.dma_semaphore, #tpu.memory_space<semaphore_mem>>)
    %dma_start3A_68 = arith.constant 0 : i32
    %dma_start3A_69 = tpu.memref_slice %arg3[%add3A_53, %dma_start3A_68] : memref<64x16384xf32, #tpu.memory_space<hbm>> -> memref<1x16384xf32, #tpu.memory_space<hbm>>
    %dma_start3A_70 = tpu.memref_squeeze %dma_start3A_69 : memref<1x16384xf32, #tpu.memory_space<hbm>> -> memref<16384xf32, #tpu.memory_space<hbm>>
    %dma_start3A_71 = arith.constant 0 : i32
    %dma_start3A_72 = tpu.memref_slice %arg3[%add3A_53, %dma_start3A_71] : memref<64x16384xf32, #tpu.memory_space<hbm>> -> memref<1x16384xf32, #tpu.memory_space<hbm>>
    %dma_start3A_73 = tpu.memref_squeeze %dma_start3A_72 : memref<1x16384xf32, #tpu.memory_space<hbm>> -> memref<16384xf32, #tpu.memory_space<hbm>>
    tpu.enqueue_dma source(%dma_start3A_73 : memref<16384xf32, #tpu.memory_space<hbm>>) target(%arg8 : memref<16384xf32, #tpu.memory_space<vmem>>) target_semaphore(%arg9 : memref<!tpu.dma_semaphore, #tpu.memory_space<semaphore_mem>>)
    %scan3A_74 = arith.constant 0 : i32
    %scan3A_75 = arith.constant 1024 : i32
    %scan3A_76 = arith.addi %scan3A_74, %scan3A_75 : i32
    %scan3A_77 = arith.constant 1 : i32
    scf.for %scan3A_102 = %scan3A_74 to %scan3A_76 step %scan3A_77  : i32 {
      %mul3A_103 = arith.constant 64 : i32
      %mul3A_104 = arith.muli %scan3A_102, %mul3A_103 : i32
      %add3A_105 = arith.constant 0 : i32
      %add3A_106 = arith.addi %add3A_105, %mul3A_104 : i32
      %swap3A = arith.index_cast %add3A_106 : i32 to index
      %swap3A_107 = tpu.vector_load %arg5[%swap3A] {strides = array<i32>} : memref<66048xf32, #tpu.memory_space<vmem>>, vector<16xf32>,
      tpu.vector_store %arg5[%swap3A], %broadcast_in_dim3A_1 {strides = array<i32>} : memref<66048xf32, #tpu.memory_space<vmem>>, vector<16xf32>,
      %add3A_108 = arith.constant 16 : i32
      %add3A_109 = arith.addi %add3A_106, %add3A_108 : i32
      %swap3A_110 = arith.index_cast %add3A_109 : i32 to index
      %swap3A_111 = tpu.vector_load %arg5[%swap3A_110] {strides = array<i32>} : memref<66048xf32, #tpu.memory_space<vmem>>, vector<16xf32>,
      tpu.vector_store %arg5[%swap3A_110], %broadcast_in_dim3A_1 {strides = array<i32>} : memref<66048xf32, #tpu.memory_space<vmem>>, vector<16xf32>,
      %add3A_112 = arith.constant 32 : i32
      %add3A_113 = arith.addi %add3A_106, %add3A_112 : i32
      %swap3A_114 = arith.index_cast %add3A_113 : i32 to index
      %swap3A_115 = tpu.vector_load %arg5[%swap3A_114] {strides = array<i32>} : memref<66048xf32, #tpu.memory_space<vmem>>, vector<16xf32>,
      tpu.vector_store %arg5[%swap3A_114], %broadcast_in_dim3A_1 {strides = array<i32>} : memref<66048xf32, #tpu.memory_space<vmem>>, vector<16xf32>,
      %add3A_116 = arith.constant 48 : i32
      %add3A_117 = arith.addi %add3A_106, %add3A_116 : i32
      %swap3A_118 = arith.index_cast %add3A_117 : i32 to index
      %swap3A_119 = tpu.vector_load %arg5[%swap3A_118] {strides = array<i32>} : memref<66048xf32, #tpu.memory_space<vmem>>, vector<16xf32>,
      tpu.vector_store %arg5[%swap3A_118], %broadcast_in_dim3A_1 {strides = array<i32>} : memref<66048xf32, #tpu.memory_space<vmem>>, vector<16xf32>,
    }
    %scan3A_78 = arith.constant 1024 : i32
    %dma_wait3A_79 = arith.constant 0 : i32
    %dma_wait3A_80 = arith.constant 0 : i32
    %dma_wait3A_81 = tpu.memref_slice %arg2[%dma_wait3A_79, %add3A_53, %dma_wait3A_80] : memref<2x64x16384xf32, #tpu.memory_space<hbm>> -> memref<1x1x16384xf32, #tpu.memory_space<hbm>>
    %dma_wait3A_82 = tpu.memref_squeeze %dma_wait3A_81 : memref<1x1x16384xf32, #tpu.memory_space<hbm>> -> memref<16384xf32, #tpu.memory_space<hbm>>
    %dma_wait3A_83 = arith.constant 0 : i32
    %dma_wait3A_84 = tpu.memref_slice %arg2[%dma_wait3A_79, %add3A_53, %dma_wait3A_83] : memref<2x64x16384xf32, #tpu.memory_space<hbm>> -> memref<1x1x16384xf32, #tpu.memory_space<hbm>>
    %dma_wait3A_85 = tpu.memref_squeeze %dma_wait3A_84 : memref<1x1x16384xf32, #tpu.memory_space<hbm>> -> memref<16384xf32, #tpu.memory_space<hbm>>
    tpu.wait_dma2 semaphore(%arg9 : memref<!tpu.dma_semaphore, #tpu.memory_space<semaphore_mem>>) src(%dma_wait3A_85 : memref<16384xf32, #tpu.memory_space<hbm>>) dst(%arg6 : memref<16384xf32, #tpu.memory_space<vmem>>)
    %dma_wait3A_86 = arith.constant 1 : i32
    %dma_wait3A_87 = arith.constant 0 : i32
    %dma_wait3A_88 = tpu.memref_slice %arg2[%dma_wait3A_86, %add3A_53, %dma_wait3A_87] : memref<2x64x16384xf32, #tpu.memory_space<hbm>> -> memref<1x1x16384xf32, #tpu.memory_space<hbm>>
    %dma_wait3A_89 = tpu.memref_squeeze %dma_wait3A_88 : memref<1x1x16384xf32, #tpu.memory_space<hbm>> -> memref<16384xf32, #tpu.memory_space<hbm>>
    %dma_wait3A_90 = arith.constant 0 : i32
    %dma_wait3A_91 = tpu.memref_slice %arg2[%dma_wait3A_86, %add3A_53, %dma_wait3A_90] : memref<2x64x16384xf32, #tpu.memory_space<hbm>> -> memref<1x1x16384xf32, #tpu.memory_space<hbm>>
    %dma_wait3A_92 = tpu.memref_squeeze %dma_wait3A_91 : memref<1x1x16384xf32, #tpu.memory_space<hbm>> -> memref<16384xf32, #tpu.memory_space<hbm>>
    tpu.wait_dma2 semaphore(%arg9 : memref<!tpu.dma_semaphore, #tpu.memory_space<semaphore_mem>>) src(%dma_wait3A_92 : memref<16384xf32, #tpu.memory_space<hbm>>) dst(%arg7 : memref<16384xf32, #tpu.memory_space<vmem>>)
    %dma_wait3A_93 = arith.constant 0 : i32
    %dma_wait3A_94 = tpu.memref_slice %arg3[%add3A_53, %dma_wait3A_93] : memref<64x16384xf32, #tpu.memory_space<hbm>> -> memref<1x16384xf32, #tpu.memory_space<hbm>>
    %dma_wait3A_95 = tpu.memref_squeeze %dma_wait3A_94 : memref<1x16384xf32, #tpu.memory_space<hbm>> -> memref<16384xf32, #tpu.memory_space<hbm>>
    %dma_wait3A_96 = arith.constant 0 : i32
    %dma_wait3A_97 = tpu.memref_slice %arg3[%add3A_53, %dma_wait3A_96] : memref<64x16384xf32, #tpu.memory_space<hbm>> -> memref<1x16384xf32, #tpu.memory_space<hbm>>
    %dma_wait3A_98 = tpu.memref_squeeze %dma_wait3A_97 : memref<1x16384xf32, #tpu.memory_space<hbm>> -> memref<16384xf32, #tpu.memory_space<hbm>>
    tpu.wait_dma2 semaphore(%arg9 : memref<!tpu.dma_semaphore, #tpu.memory_space<semaphore_mem>>) src(%dma_wait3A_98 : memref<16384xf32, #tpu.memory_space<hbm>>) dst(%arg8 : memref<16384xf32, #tpu.memory_space<vmem>>)
    %parallel_loop3A_99 = arith.constant 0 : i32
    %parallel_loop3A_100 = arith.constant 16384 : i32
    %parallel_loop3A_101 = arith.constant 16 : i32
    scf.for %parallel_loop3A_102 = %parallel_loop3A_99 to %parallel_loop3A_100 step %parallel_loop3A_101  : i32 {
      %parallel_loop3A_103 = arith.index_cast %parallel_loop3A_102 : i32 to index
      %parallel_loop3A_104 = tpu.vector_load %arg6[%parallel_loop3A_103] {strides = array<i32>} : memref<16384xf32, #tpu.memory_space<vmem>>, vector<16xf32>,
      %parallel_loop3A_105 = arith.index_cast %parallel_loop3A_102 : i32 to index
      %parallel_loop3A_106 = tpu.vector_load %arg7[%parallel_loop3A_105] {strides = array<i32>} : memref<16384xf32, #tpu.memory_space<vmem>>, vector<16xf32>,
      %parallel_loop3A_107 = arith.index_cast %parallel_loop3A_102 : i32 to index
      %parallel_loop3A_108 = tpu.vector_load %arg8[%parallel_loop3A_107] {strides = array<i32>} : memref<16384xf32, #tpu.memory_space<vmem>>, vector<16xf32>,
      %parallel_loop3A_109 = arith.fptosi %parallel_loop3A_104 : vector<16xf32> to vector<16xi32>
      %parallel_loop3A_110 = arith.fptosi %parallel_loop3A_106 : vector<16xf32> to vector<16xi32>
      %parallel_loop3A_111 = arith.sitofp %parallel_loop3A_109 : vector<16xi32> to vector<16xf32>
      %parallel_loop3A_112 = arith.subf %parallel_loop3A_104, %parallel_loop3A_111 : vector<16xf32>
      %parallel_loop3A_113 = arith.sitofp %parallel_loop3A_110 : vector<16xi32> to vector<16xf32>
      %parallel_loop3A_114 = arith.subf %parallel_loop3A_106, %parallel_loop3A_113 : vector<16xf32>
      %parallel_loop3A_115 = arith.mulf %parallel_loop3A_112, %parallel_loop3A_108 : vector<16xf32>
      %parallel_loop3A_116 = arith.subf %parallel_loop3A_108, %parallel_loop3A_115 : vector<16xf32>
      %parallel_loop3A_117 = arith.mulf %parallel_loop3A_116, %parallel_loop3A_114 : vector<16xf32>
      %parallel_loop3A_118 = arith.subf %parallel_loop3A_116, %parallel_loop3A_117 : vector<16xf32>
      %parallel_loop3A_119 = arith.mulf %parallel_loop3A_115, %parallel_loop3A_114 : vector<16xf32>
      %parallel_loop3A_120 = arith.subf %parallel_loop3A_115, %parallel_loop3A_119 : vector<16xf32>
      %parallel_loop3A_121 = arith.constant 256 : i32
      %parallel_loop3A_122 = vector.broadcast %parallel_loop3A_121 : i32 to vector<16xi32>
      %parallel_loop3A_123 = arith.muli %parallel_loop3A_109, %parallel_loop3A_122 : vector<16xi32>
      %parallel_loop3A_124 = arith.addi %parallel_loop3A_123, %parallel_loop3A_110 : vector<16xi32>
      tpu.vector_store_idx %arg5[%parallel_loop3A_124], %parallel_loop3A_118 {add = true} : memref<66048xf32, #tpu.memory_space<vmem>>[vector<16xi32>], vector<16xf32>,
      %parallel_loop3A_125 = arith.constant 1 : i32
      %parallel_loop3A_126 = vector.broadcast %parallel_loop3A_125 : i32 to vector<16xi32>
      %parallel_loop3A_127 = arith.addi %parallel_loop3A_124, %parallel_loop3A_126 : vector<16xi32>
      tpu.vector_store_idx %arg5[%parallel_loop3A_127], %parallel_loop3A_117 {add = true} : memref<66048xf32, #tpu.memory_space<vmem>>[vector<16xi32>], vector<16xf32>,
      %parallel_loop3A_128 = arith.constant 256 : i32
      %parallel_loop3A_129 = vector.broadcast %parallel_loop3A_128 : i32 to vector<16xi32>
      %parallel_loop3A_130 = arith.addi %parallel_loop3A_124, %parallel_loop3A_129 : vector<16xi32>
      tpu.vector_store_idx %arg5[%parallel_loop3A_130], %parallel_loop3A_120 {add = true} : memref<66048xf32, #tpu.memory_space<vmem>>[vector<16xi32>], vector<16xf32>,
      %parallel_loop3A_131 = arith.constant 256 : i32
      %parallel_loop3A_132 = vector.broadcast %parallel_loop3A_131 : i32 to vector<16xi32>
      %parallel_loop3A_133 = arith.addi %parallel_loop3A_124, %parallel_loop3A_132 : vector<16xi32>
      %parallel_loop3A_134 = arith.constant 1 : i32
      %parallel_loop3A_135 = vector.broadcast %parallel_loop3A_134 : i32 to vector<16xi32>
      %parallel_loop3A_136 = arith.addi %parallel_loop3A_133, %parallel_loop3A_135 : vector<16xi32>
      tpu.vector_store_idx %arg5[%parallel_loop3A_136], %parallel_loop3A_119 {add = true} : memref<66048xf32, #tpu.memory_space<vmem>>[vector<16xi32>], vector<16xf32>,
    } {sc.loop_unroll_factor = 2 : i64, sc.parallel_access}
    "tpu.region"() ({
      %run_scoped3A = tpu.sem_alloc : memref<!tpu.dma_semaphore, #tpu.memory_space<semaphore_mem>>
      %dma_start3A_102 = arith.constant 0 : i32
      %dma_start3A_103 = tpu.memref_slice %arg5[%dma_start3A_102] : memref<66048xf32, #tpu.memory_space<vmem>> -> memref<65536xf32, #tpu.memory_space<vmem>>
      %dma_start3A_104 = arith.constant 0 : i32
      %dma_start3A_105 = tpu.memref_slice %arg4[%add3A_53, %dma_start3A_104] : memref<64x65536xf32, #tpu.memory_space<hbm>> -> memref<1x65536xf32, #tpu.memory_space<hbm>>
      %dma_start3A_106 = tpu.memref_squeeze %dma_start3A_105 : memref<1x65536xf32, #tpu.memory_space<hbm>> -> memref<65536xf32, #tpu.memory_space<hbm>>
      %dma_start3A_107 = arith.constant 0 : i32
      %dma_start3A_108 = tpu.memref_slice %arg4[%add3A_53, %dma_start3A_107] : memref<64x65536xf32, #tpu.memory_space<hbm>> -> memref<1x65536xf32, #tpu.memory_space<hbm>>
      %dma_start3A_109 = tpu.memref_squeeze %dma_start3A_108 : memref<1x65536xf32, #tpu.memory_space<hbm>> -> memref<65536xf32, #tpu.memory_space<hbm>>
      %dma_start3A_110 = arith.constant 0 : i32
      %dma_start3A_111 = tpu.memref_slice %arg5[%dma_start3A_110] : memref<66048xf32, #tpu.memory_space<vmem>> -> memref<65536xf32, #tpu.memory_space<vmem>>
      tpu.enqueue_dma source(%dma_start3A_111 : memref<65536xf32, #tpu.memory_space<vmem>>) target(%dma_start3A_109 : memref<65536xf32, #tpu.memory_space<hbm>>) target_semaphore(%run_scoped3A : memref<!tpu.dma_semaphore, #tpu.memory_space<semaphore_mem>>)
      %dma_wait3A_112 = arith.constant 0 : i32
      %dma_wait3A_113 = tpu.memref_slice %arg5[%dma_wait3A_112] : memref<66048xf32, #tpu.memory_space<vmem>> -> memref<65536xf32, #tpu.memory_space<vmem>>
      %dma_wait3A_114 = arith.constant 0 : i32
      %dma_wait3A_115 = tpu.memref_slice %arg4[%add3A_53, %dma_wait3A_114] : memref<64x65536xf32, #tpu.memory_space<hbm>> -> memref<1x65536xf32, #tpu.memory_space<hbm>>
      %dma_wait3A_116 = tpu.memref_squeeze %dma_wait3A_115 : memref<1x65536xf32, #tpu.memory_space<hbm>> -> memref<65536xf32, #tpu.memory_space<hbm>>
      %dma_wait3A_117 = arith.constant 0 : i32
      %dma_wait3A_118 = tpu.memref_slice %arg4[%add3A_53, %dma_wait3A_117] : memref<64x65536xf32, #tpu.memory_space<hbm>> -> memref<1x65536xf32, #tpu.memory_space<hbm>>
      %dma_wait3A_119 = tpu.memref_squeeze %dma_wait3A_118 : memref<1x65536xf32, #tpu.memory_space<hbm>> -> memref<65536xf32, #tpu.memory_space<hbm>>
      %dma_wait3A_120 = arith.constant 0 : i32
      %dma_wait3A_121 = tpu.memref_slice %arg5[%dma_wait3A_120] : memref<66048xf32, #tpu.memory_space<vmem>> -> memref<65536xf32, #tpu.memory_space<vmem>>
      tpu.wait_dma2 semaphore(%run_scoped3A : memref<!tpu.dma_semaphore, #tpu.memory_space<semaphore_mem>>) src(%dma_wait3A_121 : memref<65536xf32, #tpu.memory_space<vmem>>) dst(%dma_wait3A_119 : memref<65536xf32, #tpu.memory_space<hbm>>)
      tpu.yield
    }) : () -> ()
    return
  }
}

</mosaic_0001>

<sc_bundles>
// kernel: kernel.3.cloned.1.call-start
scs
__scs_entry_jumppad:
0x0: {  	(pc) =	sbr.rel $0x88, $3  }
0x1: {  	(tag) =	ssettag $0x0;
	lr =	simm.s32 $0x1  }
0x2: {  	[smem:$0x3F9F] =	sst lr;
	_ =	strace $0xD0000000  }
0x3: {  	_ = 	snop  }
0x4: {  	_ = 	snop  }
0x5: {  	_ = 	snop  }
0x6: {  	_ = 	snop  }
0x7: {  	_ = 	snop  }
__scs_overlays_trampoline_lowered:
0x8: {  	[smem:$0x3FAE] =	sst s0  }
0x9: {  	[smem:$0x3FAF] =	sst s1  }
0xa: {  	[smem:$0x3FB0] =	sst s2  }
0xb: {  	[smem:$0x3FB1] =	sst s3  }
0xc: {  	[smem:$0x3FB2] =	sst s4  }
0xd: {  	[smem:$0x3FB3] =	sst s5  }
0xe: {  	[smem:$0x3FB4] =	sst s6  }
0xf: {  	[smem:$0x3FB5] =	sst s7  }
0x10: {  	[smem:$0x3FB6] =	sst s8  }
0x11: {  	[smem:$0x3FB7] =	sst s9;
	s0 =	simm.s32 @!p0 $0x0  }
0x12: {  	s1 =	sld [smem:$0x3F9D];
	s0 =	simm.s32 @p0 $0x1  }
0x13: {  	[smem:$0x3FB8] =	sst s0;
	s0 =	simm.s32 @!p1 $0x0  }
0x14: {  	s2 =	sld [smem:$0x3F9C];
	s0 =	simm.s32 @p1 $0x1  }
0x15: {  	[smem:$0x3FB9] =	sst s0;
	s0 =	simm.s32 @!p2 $0x0  }
0x16: {  	s3 =	sld [smem:$0x3FDB];
	s0 =	simm.s32 @p2 $0x1  }
0x17: {  	s4 =	simm.s32 $0x1BF5;
	[smem:$0x3FBB] =	sst s0  }
0x18: {  	s0 =	sld [smem:$0x3F9E];
	_ =	swait.ge [sflag:s4], $0x0  }
0x19: {  	s7 =	sld [smem:$0x3F9F]  }
0x1a: {  	s8 =	sadd.s32 $0xFFFFE003, lr  }
0x1b: {  	s9 =	sadd.s32 $0xFFFFFEF7, lr;
	s5 =	simm.s32 $0xFFFFFFFF;
	p2 =	slt.u32 s8, $0xFFFFF086  }
0x1c: {  	p1 =	slt.u32 s9, $0xF7A;
	s5 =	simm.s32 @!p2 $0x0  }
0x1d: {  	s5 =	simm.s32 @p1 $0x1;
	p0 =	seq.s32 s7, s2  }
0x1e: {  	s7 =	smul.u32 @!p0 $0xF7A, s2;
	p2 =	seq.s32 @!p0 s5, $0x0  }
0x1f: {  	s9 =	smul.u32 $0xF7A, s1;
	s8 =	simm.s32 @!p0 $0x1BF5;
	p2 =	por !p2, p0  }
0x20: {  	[sflag:s8] =	ssyncset.s32 @!p0 $0xFFFFF086;
	s6 =	sadd.s32 @!p0 s3, s7;
	s7 =	simm.s32 @!p0 $0x108  }
0x21: {  	s3 =	sadd.s32 s3, s9;
	s6 =	sadd.s32 @!p0 $0x88, s6;
	s7 =	simm.s32 @p2 $0x1082  }
0x22: {  	[simem:s7], [sflag:s8] =	dma.local @!p0 [hbm:s6], $0xF7A  }
0x23: {  	s9 =	sor.u32 $0xD0000000, s2;
	s6 =	simm.s32 $0x108;
	_ =	swait.ge @!p0 [sflag:s8], $0x0  }
0x24: {  	s3 =	sadd.s32 $0x88, s3;
	s6 =	simm.s32 @!p1 $0x1082;
	[sflag:s4] =	ssyncset.s32 $0xFFFFF086  }
0x25: {  	[simem:s6], [sflag:s4] =	dma.local [hbm:s3], $0xF7A  }
0x26: {  	[smem:$0x3F9F] =	sst s1;
	(tag) =	ssettag s2;
	_ =	strace s9  }
0x27: {  	s1 =	sld [smem:$0x3FAF]  }
0x28: {  	s2 =	sld [smem:$0x3FB0]  }
0x29: {  	s4 =	sld [smem:$0x3FB2]  }
0x2a: {  	p0 =	seq.s32 s5, $0x0;
	s5 =	sld [smem:$0x3FB3]  }
0x2b: {  	s6 =	sld [smem:$0x3FB4]  }
0x2c: {  	s7 =	sld [smem:$0x3FB5]  }
0x2d: {  	s3 =	simm.s32 $0x108;
	s8 =	sld [smem:$0x3FB6]  }
0x2e: {  	s3 =	simm.s32 @!p0 $0x1082;
	s9 =	sld [smem:$0x3FB7]  }
0x2f: {  	lr =	sadd.s32 s0, s3;
	s0 =	sld [smem:$0x3FAE]  }
0x30: {  	s3 =	sld [smem:$0x3FB1]  }
0x31: {  	[smem:$0x3FBA] =	sst s10  }
0x32: {  	s10 =	sld [smem:$0x3FB8];
	_ =	sdelay $0x3  }
0x33: {  	p0 =	seq.s32 s10, $0x1;
	s10 =	sld [smem:$0x3FBA];
	_ =	sdelay $0x3  }
0x34: {  	[smem:$0x3FBA] =	sst s10  }
0x35: {  	s10 =	sld [smem:$0x3FB9];
	_ =	sdelay $0x3  }
0x36: {  	p1 =	seq.s32 s10, $0x1;
	s10 =	sld [smem:$0x3FBA];
	_ =	sdelay $0x3  }
0x37: {  	[smem:$0x3FBA] =	sst s10  }
0x38: {  	s10 =	sld [smem:$0x3FBB]  }
0x39: {  	_ = 	snop;
	(pc) =	sbr.ind lr, $3  }
0x3a: {  	_ = 	snop  }
0x3b: {  	_ = 	snop  }
0x3c: {  	p2 =	seq.s32 s10, $0x1;
	s10 =	sld [smem:$0x3FBA]  }
0x3d: {  	_ =	shalt  }
0x3e: {  	_ =	shalt  }
0x3f: {  	_ =	shalt  }
0x40: {  	_ =	shalt  }
0x41: {  	_ =	shalt  }
0x42: {  	_ =	shalt  }
0x43: {  	_ =	shalt  }
0x44: {  	_ =	shalt  }
0x45: {  	_ =	shalt  }
0x46: {  	_ =	shalt  }
0x47: {  	_ =	shalt  }
0x48: {  	_ =	shalt  }
0x49: {  	_ =	shalt  }
0x4a: {  	_ =	shalt  }
0x4b: {  	_ =	shalt  }
0x4c: {  	_ =	shalt  }
0x4d: {  	_ =	shalt  }
0x4e: {  	_ =	shalt  }
0x4f: {  	_ =	shalt  }
0x50: {  	_ =	shalt  }
0x51: {  	_ =	shalt  }
0x52: {  	_ =	shalt  }
0x53: {  	_ =	shalt  }
0x54: {  	_ =	shalt  }
0x55: {  	_ =	shalt  }
0x56: {  	_ =	shalt  }
0x57: {  	_ =	shalt  }
0x58: {  	_ =	shalt  }
0x59: {  	_ =	shalt  }
0x5a: {  	_ =	shalt  }
0x5b: {  	_ =	shalt  }
0x5c: {  	_ =	shalt  }
0x5d: {  	_ =	shalt  }
0x5e: {  	_ =	shalt  }
0x5f: {  	_ =	shalt  }
0x60: {  	_ =	shalt  }
0x61: {  	_ =	shalt  }
0x62: {  	_ =	shalt  }
0x63: {  	_ =	shalt  }
0x64: {  	_ =	shalt  }
0x65: {  	_ =	shalt  }
0x66: {  	_ =	shalt  }
0x67: {  	_ =	shalt  }
0x68: {  	_ =	shalt  }
0x69: {  	_ =	shalt  }
0x6a: {  	_ =	shalt  }
0x6b: {  	_ =	shalt  }
0x6c: {  	_ =	shalt  }
0x6d: {  	_ =	shalt  }
0x6e: {  	_ =	shalt  }
0x6f: {  	_ =	shalt  }
0x70: {  	_ =	shalt  }
0x71: {  	_ =	shalt  }
0x72: {  	_ =	shalt  }
0x73: {  	_ =	shalt  }
0x74: {  	_ =	shalt  }
0x75: {  	_ =	shalt  }
0x76: {  	_ =	shalt  }
0x77: {  	_ =	shalt  }
0x78: {  	_ =	shalt  }
0x79: {  	_ =	shalt  }
0x7a: {  	_ =	shalt  }
0x7b: {  	_ =	shalt  }
0x7c: {  	_ =	shalt  }
0x7d: {  	_ =	shalt  }
0x7e: {  	_ =	shalt  }
0x7f: {  	_ =	shalt  }
0x80: {  	_ =	shalt  }
0x81: {  	_ =	shalt  }
0x82: {  	_ =	shalt  }
0x83: {  	_ =	shalt  }
0x84: {  	_ =	shalt  }
0x85: {  	_ =	shalt  }
0x86: {  	_ =	shalt  }
0x87: {  	_ =	shalt  }
.Lfunc_end0:
.L_simem_size_0:
called_computation_lowered:
.L_overlay_start_0:
0x88: {  	s2 =	sld [smem:$0x3FD9]  }
0x89: {  	s3 =	sld [smem:$0x3FFE];
	_ =	sdelay $0x1  }
0x8a: {  	s1 =	srdreg.scid  }
0x8b: {  	s0 =	sand.u32 $0x1, s1  }
0x8c: {  	s17 =	sshll.u32 s0, $0xA;
	s2 =	sadd.s32 s3, s2  }
0x8d: {  	s2 =	sadd.s32 s2, s17  }
0x8e: {  	[smem:$0x3FC6] =	sst s2  }
0x8f: {  	_ = 	snop  }
0x90: {  	s2 =	sld [smem:$0x3FC9]  }
0x91: {  	s18 =	sld [smem:$0x3FD0];
	(tm) =	ssettm $0x1  }
0x92: {  	s4 =	sld [smem:$0x3FFB];
	_ =	sdelay $0x3  }
0x93: {  	_ =	strace s4  }
0x94: {  	s4 =	sld [smem:$0x3FFC];
	_ =	sdelay $0x3  }
0x95: {  	_ =	strace s4  }
0x96: {  	s4 =	sld [smem:$0x3FFD];
	_ =	sdelay $0x3  }
0x97: {  	_ =	strace s4  }
0x98: {  	_ =	strace $0x8FFFFFFF  }
0x99: {  	s19 =	sld [smem:$0x3FDB];
	_ =	sdelay $0x1  }
0x9a: {  	s5 =	simm.s32 $_scs_section_size  }
0x9b: {  	s6 =	simm.s32 $_size__tile_overlayer_lowered;
	s7 =	simm.s32 $_tile_overlayer_lowered  }
0x9c: {  	s22 =	simm.s32 $0x1BFF;
	s21 =	sshll.u32 s7, $0x1;
	s4 =	sadd.s32 s5, s19  }
0x9d: {  	s8 =	simm.s32 $0x0;
	s20 =	sshll.u32 s6, $0x1;
	s6 =	sadd.s32 s21, s4  }
0x9e: {  	[timem:s8], [sflag:s22] =	dma.local [hbm:s6], s20  }
0x9f: {  	_ =	swait.ge [sflag:s22], s20  }
0xa0: {  	s5 =	ssub.s32 $0x0, s20;
	[sflag:s22] =	ssyncset.done $0x0  }
0xa1: {  	[sflag:s22] =	ssyncadd.s32 s5;
	_ =	sdelay $0x1  }
0xa2: {  	s23 =	simm.s32 $0x1B8B  }
0xa3: {  	_ =	swait.ge [sflag:s23], $0x1  }
0xa4: {  	[sflag:s23] =	ssyncset.done $0x0  }
0xa5: {  	s25 =	simm.s32 $0x1B8E;
	s24 =	sld [smem:$0x3FFE];
	[sflag:s23] =	ssyncadd.s32 $0xFFFFFFFF  }
0xa6: {  	s26 =	simm.s32 $execute0_lowered;
	[smem:$0x3FD2] =	sst s25  }
0xa7: {  	s6 =	sshll.u32 s26, $0x1;
	_ =	strace $0x80000046;
	[dreg:$0x1] =	wrdreg $0xFFFFFFFF  }
0xa8: {  	s28 =	simm.s32 $_size_execute0_lowered;
	s4 =	sadd.s32 s4, s6;
	[dreg:$0x0] =	wrdreg $0x0  }
0xa9: {  	s6 =	sshll.u32 s28, $0x1;
	[dreg:$0x2] =	wrdreg s4  }
0xaa: {  	[dreg:$0x3] =	wrdreg s6  }
0xab: {  	[dreg:$0x4] =	wrdreg $0xC0  }
0xac: {  	_ =	task [dreg:s8], $0x5FFFF  }
0xad: {  	[dreg:$0x1] =	wrdreg $0xFFFFFFFF  }
0xae: {  	[dreg:$0x0] =	wrdreg $0x60  }
0xaf: {  	[dreg:$0x2] =	wrdreg s18  }
0xb0: {  	[dreg:$0x3] =	wrdreg s2  }
0xb1: {  	[dreg:$0x4] =	wrdreg s24  }
0xb2: {  	[dreg:$0x5] =	wrdreg $0x9  }
0xb3: {  	_ =	task.clear_ibuf [dreg:s8], $0x6FFFF;
	_ =	strace $0x90000046  }
0xb4: {  	s29 =	simm.s32 $0x9;
	_ =	strace $0x80000048  }
0xb5: {  	_ =	swait.ge [sflag:s29], $0x1  }
0xb6: {  	[sflag:s29] =	ssyncadd.s32 $0xFFFFFFFF  }
0xb7: {  	_ =	strace $0x90000048  }
0xb8: {  	_ =	sfence  }
0xb9: {  	s30 =	sld [smem:$0x0];
	_ =	sdelay $0x2  }
0xba: {  	s31 =	sshll.u32 s1, $0xD;
	s1 =	sshrl.u32 s1, $0x2  }
0xbb: {  	s3 =	sand.u32 $0x4000, s31;
	s1 =	sadd.s32 s1, s30  }
0xbc: {  	s0 =	sor.u32 s3, s0;
	s1 =	sshll.u32 s1, $0x11  }
0xbd: {  	s0 =	sor.u32 s1, s0  }
0xbe: {  	s0 =	sadd.s32 $0x8F2B, s0  }
0xbf: {  	[sflag:s0] =	ssyncadd.remote.s32 $0x1  }
0xc0: {  	_ =	sfence.sel $0xFFFF  }
0xc1: {  	[dreg:$0x0] =	wrdreg $0xFFFFFFFF;
	(pc) =	sbr.abs _section_cstart, $3  }
0xc2: {  	[dreg:$0x1] =	wrdreg $0xFFFFFFFF  }
0xc3: {  	_ =	task.clear_ibuf [dreg:s8], $0x2FFFF;
	_ =	strace $0x9FFFFFFF  }
0xc4: {  	(tm) =	ssettm $0x7FFFFFFF  }
0xc5: {  	_ =	shalt  }
tec
execute0_lowered:
.L_overlay_start_1:
0x0: {  	(tag) =	ssettag $0x1  }
0x1: {  	s8 =	rddreg [dreg:$0x0]  }
0x2: {  	s9 =	rddreg [dreg:$0x1]  }
0x3: {  	s3 =	rddreg [dreg:$0x2]  }
0x4: {  	s0 =	rddreg [dreg:$0x3]  }
0x5: {  	s2 =	simm.s32 $0x0;
	s4 =	srdreg.scid;
	s1 =	stileid.u32  }
0x6: {  	s16 =	simm.s32 $0x18200;
	s17 =	simm.s32 $0x1;
	s18 =	simm.s32 $0x2  }
0x7: {  	s19 =	simm.s32 $0x0;
	[smem:$0x7FF] =	sst s2;
	s4 =	sand.u32 $0x1, s4  }
0x8: {  	s10 =	sadd.s32 $0x400, s3;
	s5 =	sshll.u32 s1, $0x9;
	s6 =	sshrl.u32 s1, $0x1  }
0x9: {  	_ =	strace $0x80000047;
	s28 =	ssub.s32 $0x2, s4;
	s4 =	sshll.u32 s4, $0x8  }
0xa: {  	s5 =	sand.u32 $0x200, s5;
	s11 =	sshll.u32 s6, $0x11;
	s14 =	sshll.u32 s6, $0x13  }
0xb: {  	s7 =	sshrl.u32 s28, $0x1;
	s5 =	sor.u32 s4, s5;
	s30 =	sor.u32 $0x100000, s11  }
0xc: {  	s12 =	ssub.s32 s28, s7;
	s29 =	sor.u32 s11, s5;
	s4 =	sor.u32 s5, s30  }
0xd: {  	s6 =	sor.u32 s14, s5;
	s15 =	sor.u32 $0x80, s5;
	s13 =	sshrl.u32 s29, $0x3  }
0xe: {  	s4 =	sshrl.u32 s4, $0x3;
	s6 =	sshrl.u32 s6, $0x3;
	s11 =	sor.u32 s11, s15  }
0xf: {  	s31 =	sor.u32 s30, s15;
	s14 =	sor.u32 s14, s15;
	s15 =	simm.s32 $0x14200  }
0x10: {  	s3 =	sadd.s32 s8, s13;
	s4 =	sadd.s32 s8, s4;
	s5 =	sadd.s32 s9, s13  }
0x11: {  	s6 =	sadd.s32 s10, s6;
	s11 =	sshrl.u32 s11, $0x3;
	s13 =	sshrl.u32 s31, $0x3  }
0x12: {  	s14 =	sshrl.u32 s14, $0x3;
	s7 =	sadd.s32 s8, s11;
	s8 =	sadd.s32 s8, s13  }
0x13: {  	s9 =	sadd.s32 s9, s11;
	s10 =	sadd.s32 s10, s14;
	s11 =	smax.u32 s12, $0x1  }
0x14: {  	v0 =	vimm.f32 $0.0e+00;
	s12 =	simm.s32 $0x80;
	s13 =	simm.s32 $0x400;
	s14 =	simm.s32 $0x10200  }
.LBB2_1:
0x15: {  	[tilespmem:s14], [sflag:$0x1] =	stream.strided.gather [hbm4b:s3+s12], $0x4000, s13, s12, $0x38;
	[tilespmem:$0x1C200] =	vst v63  }
0x16: {  	_ = 	snop  }
0x17: {  	[tilespmem:s15], [sflag:$0x1] =	stream.strided.gather [hbm4b:s4+s12], $0x4000, s13, s12, $0x38;
	[tilespmem:$0x1C200] =	vst v63  }
0x18: {  	s21 =	simm.s32 $0x100;
	s20 =	simm.s32 $0x0  }
0x19: {  	[tilespmem:s16], [sflag:$0x1] =	stream.strided.gather [hbm4b:s5+s12], $0x4000, s13, s12, $0x38;
	[tilespmem:$0x1C200] =	vst v63  }
.LBB2_2:
0x1a: {  	p0 =	sne.s32 s21, $0x3FF00;
	[tilespmem:s20+$0x30] =	vst v0;
	s22 =	smov.u32 s21;
	s21 =	sadd.s32 $0x100, s21  }
.Ltmp0:
0x1b: {  	[tilespmem:s20+$0x20] =	vst v0;
	(pc) =	sbr.rel @p0 .LBB2_2-.Ltmp0, $3  }
0x1c: {  	[tilespmem:s20+$0x0] =	vst v0  }
0x1d: {  	[tilespmem:s20+$0x10] =	vst v0;
	_ =	sdelay $0x1  }
0x1e: {  	s20 =	sshra.s32 s22, $0x2  }
0x1f: {  	[tilespmem:s20+$0x30] =	vst v0  }
0x20: {  	[tilespmem:s20+$0x20] =	vst v0  }
0x21: {  	[tilespmem:s20+$0x0] =	vst v0  }
0x22: {  	[tilespmem:s20+$0x10] =	vst v0  }
0x23: {  	_ =	swait.ge [sflag:s17], $0x4000  }
0x24: {  	[sflag:s17] =	ssyncset.done $0x0  }
0x25: {  	[sflag:s17] =	ssyncadd.s32 $0xFFFFC000  }
0x26: {  	_ =	swait.ge [sflag:s17], $0x4000  }
0x27: {  	[sflag:s17] =	ssyncset.done $0x0  }
0x28: {  	[sflag:s17] =	ssyncadd.s32 $0xFFFFC000  }
0x29: {  	_ =	swait.ge [sflag:s17], $0x4000  }
0x2a: {  	[sflag:s17] =	ssyncset.done $0x0  }
0x2b: {  	s29 =	simm.s32 $0x10210;
	[sflag:s17] =	ssyncadd.s32 $0xFFFFC000  }
0x2c: {  	v1 =	vld [tilespmem:s29+$0x0];
	_ =	sdelay $0x1  }
0x2d: {  	s21 =	simm.s32 $0x14210  }
0x2e: {  	v2 =	vld [tilespmem:s21+$0x0]  }
0x2f: {  	v3 =	vld [tilespmem:s29+$0xFFFFFFF0]  }
0x30: {  	v4 =	vtrunc.f32 v1  }
0x31: {  	s30 =	simm.s32 $0x18210;
	v4 =	vcvt.f32.s32 v4  }
0x32: {  	v5 =	vld [tilespmem:s30+$0x0]  }
0x33: {  	v7 =	vtrunc.f32 v2;
	v6 =	vcvt.s32.f32 v4  }
0x34: {  	v9 =	vld [tilespmem:s21+$0xFFFFFFF0];
	v8 =	vtrunc.f32 v3;
	v7 =	vcvt.f32.s32 v7  }
0x35: {  	v4 =	vshll.u32 v4, $0x8;
	v1 =	vsub.f32 v1, v6;
	v6 =	vcvt.f32.s32 v8  }
0x36: {  	v10 =	vcvt.s32.f32 v7;
	v4 =	vadd.s32 v7, v4;
	v7 =	vand.u32 $0x7F, v7;
	v8 =	vld [tilespmem:s30+$0xFFFFFFF0]  }
0x37: {  	s31 =	simm.s32 $0x10230;
	v12 =	vand.u32 $0xFFFFFF80, v4;
	v1 =	vmul.f32 v1, v5;
	v11 =	vcvt.s32.f32 v6  }
0x38: {  	v2 =	vsub.f32 v2, v10;
	v10 =	vld [tilespmem:s31+$0x0];
	v15 =	vadd.s32 $0x1, v4;
	v7 =	vor.u32 v7, v12  }
0x39: {  	v14 =	vld [tilespmem:s31+$0xFFFFFFF0];
	v5 =	vsub.f32 v5, v1;
	v3 =	vsub.f32 v3, v11;
	v11 =	vtrunc.f32 v9  }
0x3a: {  	v12 =	vadd.s32 $0x101, v4;
	v6 =	vshll.u32 v6, $0x8;
	v11 =	vcvt.f32.s32 v11  }
0x3b: {  	s20 =	simm.s32 $0x14230;
	v7 =	vadd.s32 $0x100, v7;
	v13 =	vmul.f32 v5, v2;
	v3 =	vmul.f32 v3, v8  }
0x3c: {  	v16 =	vld [tilespmem:s20+$0x0];
	v2 =	vmul.f32 v2, v1;
	v17 =	vcvt.s32.f32 v11;
	v18 =	vadd.s32 v11, v6  }
0x3d: {  	s21 =	simm.s32 $0x18230;
	v6 =	vtrunc.f32 v10;
	v5 =	vsub.f32 v5, v13;
	v19 =	vsub.f32 v8, v3  }
0x3e: {  	v21 =	vld [tilespmem:s21+$0x0];
	v8 =	vtrunc.f32 v14;
	v9 =	vsub.f32 v9, v17;
	v17 =	vcvt.f32.s32 v6  }
0x3f: {  	v20 =	vand.u32 $0xFFFFFF80, v18;
	v1 =	vsub.f32 v1, v2;
	[tilespmem:v4+s2+$0x0] =	vst.idx.add.f32.msk $0xffff, v5;
	v4 =	vcvt.f32.s32 v8  }
0x40: {  	v5 =	vand.u32 $0x7F, v11;
	[tilespmem:v15+s2+$0x0] =	vst.idx.add.f32.msk $0xffff, v13;
	v11 =	vcvt.s32.f32 v17;
	v8 =	vmul.f32 v19, v9  }
0x41: {  	v15 =	vor.u32 v5, v20;
	[tilespmem:v7+s2+$0x0] =	vst.idx.add.f32.msk $0xffff, v1;
	v5 =	vcvt.s32.f32 v4;
	v1 =	vtrunc.f32 v16  }
0x42: {  	v7 =	vshll.u32 v4, $0x8;
	[tilespmem:v12+s2+$0x0] =	vst.idx.add.f32.msk $0xffff, v2;
	v4 =	vsub.f32 v10, v11;
	v10 =	vsub.f32 v19, v8  }
0x43: {  	v13 =	vcvt.f32.s32 v1;
	v12 =	vsub.f32 v14, v5;
	v5 =	vld [tilespmem:s20+$0xFFFFFFF0]  }
0x44: {  	v6 =	vadd.s32 $0x1, v18;
	v1 =	vmul.f32 v9, v3;
	[tilespmem:v18+s2+$0x0] =	vst.idx.add.f32.msk $0xffff, v10  }
0x45: {  	v17 =	vshll.u32 v17, $0x8;
	v11 =	vcvt.s32.f32 v13;
	v9 =	vmul.f32 v4, v21;
	v10 =	vld [tilespmem:s21+$0xFFFFFFF0]  }
0x46: {  	v2 =	vadd.s32 $0x100, v15;
	v3 =	vsub.f32 v3, v1;
	v4 =	vadd.s32 $0x101, v18  }
0x47: {  	s22 =	simm.s32 $0x20;
	s23 =	simm.s32 $0x10250;
	v14 =	vsub.f32 v16, v11;
	v15 =	vsub.f32 v21, v9;
	v11 =	vadd.s32 v13, v17  }
.LBB2_4:
0x48: {  	v16 =	vld [tilespmem:s23+$0x0];
	v17 =	vtrunc.f32 v5;
	v18 =	vand.u32 $0xFFFFFF80, v11;
	v13 =	vand.u32 $0x7F, v13  }
0x49: {  	v21 =	vadd.s32 $0x1, v11;
	v19 =	vld [tilespmem:s23+$0xFFFFFFF0];
	v20 =	vmul.f32 v15, v14;
	v13 =	vor.u32 v13, v18  }
0x4a: {  	s21 =	sadd.s32 $0x20, s21;
	v17 =	vcvt.f32.s32 v17;
	v18 =	vmul.f32 v12, v10;
	v12 =	vadd.s32 $0x100, v13;
	[tilespmem:v6+s2+$0x0] =	vst.idx.add.f32.msk $0xffff, v8  }
0x4b: {  	s22 =	sadd.s32 $0x20, s22;
	s20 =	sadd.s32 $0x20, s20;
	v13 =	vmul.f32 v14, v9;
	v14 =	vadd.s32 $0x101, v11;
	v22 =	vld [tilespmem:s21+$0x0];
	v6 =	vsub.f32 v15, v20  }
0x4c: {  	p0 =	slt.u32 s22, $0x3FE0;
	v8 =	vcvt.s32.f32 v17;
	v23 =	vsub.f32 v10, v18;
	v24 =	vadd.s32 v17, v7;
	v15 =	vld [tilespmem:s20+$0x0]  }
0x4d: {  	v10 =	vand.u32 $0xFFFFFF80, v24;
	v9 =	vsub.f32 v9, v13;
	v7 =	vtrunc.f32 v16;
	[tilespmem:v11+s2+$0x0] =	vst.idx.add.f32.msk $0xffff, v6  }
0x4e: {  	v25 =	vsub.f32 v5, v8;
	v6 =	vtrunc.f32 v19;
	v11 =	vcvt.f32.s32 v7;
	[tilespmem:v21+s2+$0x0] =	vst.idx.add.f32.msk $0xffff, v20  }
0x4f: {  	v5 =	vand.u32 $0x7F, v17;
	v7 =	vcvt.f32.s32 v6;
	v6 =	vadd.s32 $0x1, v24;
	[tilespmem:v12+s2+$0x0] =	vst.idx.add.f32.msk $0xffff, v9  }
0x50: {  	v17 =	vor.u32 v5, v10;
	v8 =	vmul.f32 v23, v25;
	v9 =	vcvt.s32.f32 v11;
	[tilespmem:v14+s2+$0x0] =	vst.idx.add.f32.msk $0xffff, v13  }
0x51: {  	v5 =	vld [tilespmem:s20+$0xFFFFFFF0];
	v12 =	vcvt.s32.f32 v7;
	v7 =	vshll.u32 v7, $0x8;
	v13 =	vtrunc.f32 v15  }
.Ltmp1:
0x52: {  	v14 =	vmul.f32 v25, v18;
	v10 =	vld [tilespmem:s21+$0xFFFFFFF0];
	v13 =	vcvt.f32.s32 v13;
	v9 =	vsub.f32 v16, v9;
	(pc) =	sbr.rel @p0 .LBB2_4-.Ltmp1, $4  }
0x53: {  	v16 =	vsub.f32 v23, v8;
	v12 =	vsub.f32 v19, v12;
	[tilespmem:v2+s2+$0x0] =	vst.idx.add.f32.msk $0xffff, v3;
	v2 =	vadd.s32 $0x100, v17  }
0x54: {  	v3 =	vsub.f32 v18, v14;
	v17 =	vcvt.s32.f32 v13;
	v9 =	vmul.f32 v9, v22;
	[tilespmem:v4+s2+$0x0] =	vst.idx.add.f32.msk $0xffff, v1  }
0x55: {  	v11 =	vshll.u32 v11, $0x8;
	v4 =	vadd.s32 $0x101, v24;
	v1 =	vmov v14;
	[tilespmem:v24+s2+$0x0] =	vst.idx.add.f32.msk $0xffff, v16  }
0x56: {  	s23 =	sadd.s32 $0x20, s23;
	v11 =	vadd.s32 v13, v11;
	v14 =	vsub.f32 v15, v17;
	v15 =	vsub.f32 v22, v9  }
0x57: {  	_ = 	snop  }
0x58: {  	v16 =	vtrunc.f32 v5  }
0x59: {  	v17 =	vand.u32 $0xFFFFFF80, v11;
	v13 =	vand.u32 $0x7F, v13;
	v16 =	vcvt.f32.s32 v16  }
0x5a: {  	v19 =	vadd.s32 $0x1, v11;
	v12 =	vmul.f32 v12, v10;
	v56 =	vadd.s32 $0x101, v11  }
0x5b: {  	[tilespmem:v6+s2+$0x0] =	vst.idx.add.f32.msk $0xffff, v8;
	v18 =	vmul.f32 v15, v14;
	v13 =	vor.u32 v13, v17;
	v20 =	vcvt.s32.f32 v16  }
0x5c: {  	v55 =	vmul.f32 v14, v9;
	[tilespmem:v2+s2+$0x0] =	vst.idx.add.f32.msk $0xffff, v3;
	v13 =	vadd.s32 $0x100, v13;
	v57 =	vsub.f32 v10, v12  }
0x5d: {  	v15 =	vsub.f32 v15, v18;
	v7 =	vadd.s32 v16, v7;
	v59 =	vsub.f32 v5, v20  }
0x5e: {  	[tilespmem:v4+s2+$0x0] =	vst.idx.add.f32.msk $0xffff, v1;
	v58 =	vsub.f32 v9, v55;
	v61 =	vand.u32 $0x7F, v16;
	v60 =	vand.u32 $0xFFFFFF80, v7  }
0x5f: {  	v62 =	vadd.s32 $0x1, v7;
	[tilespmem:v11+s2+$0x0] =	vst.idx.add.f32.msk $0xffff, v15;
	v9 =	vor.u32 v61, v60;
	v63 =	vmul.f32 v57, v59  }
0x60: {  	[tilespmem:v19+s2+$0x0] =	vst.idx.add.f32.msk $0xffff, v18;
	v9 =	vadd.s32 $0x100, v9  }
0x61: {  	v2 =	vadd.s32 $0x101, v7;
	[tilespmem:v13+s2+$0x0] =	vst.idx.add.f32.msk $0xffff, v58;
	v5 =	vmul.f32 v59, v12;
	v6 =	vsub.f32 v57, v63  }
0x62: {  	[tilespmem:v56+s2+$0x0] =	vst.idx.add.f32.msk $0xffff, v55  }
0x63: {  	v1 =	vsub.f32 v12, v5;
	[tilespmem:v7+s2+$0x0] =	vst.idx.add.f32.msk $0xffff, v6  }
0x64: {  	[tilespmem:v62+s2+$0x0] =	vst.idx.add.f32.msk $0xffff, v63  }
0x65: {  	[tilespmem:v9+s2+$0x0] =	vst.idx.add.f32.msk $0xffff, v1  }
0x66: {  	s20 =	simm.s32 $0x0;
	[tilespmem:v2+s2+$0x0] =	vst.idx.add.f32.msk $0xffff, v5  }
0x67: {  	[hbm4b:s6+s12] =	stream.strided.scatter [tilespmem:s20], [sflag:$0x2], $0x10000, s13, s12, $0x38;
	[tilespmem:$0x1C200] =	vst v63  }
0x68: {  	_ =	swait.ge [sflag:s18], $0x10000  }
0x69: {  	[sflag:s18] =	ssyncset.done $0x0  }
0x6a: {  	[sflag:s18] =	ssyncadd.s32 $0xFFFF0000  }
0x6b: {  	[tilespmem:s14], [sflag:$0x1] =	stream.strided.gather [hbm4b:s7+s12], $0x4000, s13, s12, $0x38;
	[tilespmem:$0x1C200] =	vst v63  }
0x6c: {  	_ = 	snop  }
0x6d: {  	[tilespmem:s15], [sflag:$0x1] =	stream.strided.gather [hbm4b:s8+s12], $0x4000, s13, s12, $0x38;
	[tilespmem:$0x1C200] =	vst v63  }
0x6e: {  	s21 =	simm.s32 $0x100;
	s20 =	simm.s32 $0x0  }
0x6f: {  	[tilespmem:s16], [sflag:$0x1] =	stream.strided.gather [hbm4b:s9+s12], $0x4000, s13, s12, $0x38;
	[tilespmem:$0x1C200] =	vst v63  }
.LBB2_6:
0x70: {  	p0 =	sne.s32 s21, $0x3FF00;
	[tilespmem:s20+$0x30] =	vst v0;
	s22 =	smov.u32 s21;
	s21 =	sadd.s32 $0x100, s21  }
.Ltmp2:
0x71: {  	[tilespmem:s20+$0x20] =	vst v0;
	(pc) =	sbr.rel @p0 .LBB2_6-.Ltmp2, $3  }
0x72: {  	[tilespmem:s20+$0x0] =	vst v0  }
0x73: {  	[tilespmem:s20+$0x10] =	vst v0;
	_ =	sdelay $0x1  }
0x74: {  	s20 =	sshra.s32 s22, $0x2  }
0x75: {  	[tilespmem:s20+$0x30] =	vst v0  }
0x76: {  	[tilespmem:s20+$0x20] =	vst v0  }
0x77: {  	[tilespmem:s20+$0x0] =	vst v0  }
0x78: {  	[tilespmem:s20+$0x10] =	vst v0  }
0x79: {  	_ =	swait.ge [sflag:s17], $0x4000  }
0x7a: {  	[sflag:s17] =	ssyncset.done $0x0  }
0x7b: {  	[sflag:s17] =	ssyncadd.s32 $0xFFFFC000  }
0x7c: {  	_ =	swait.ge [sflag:s17], $0x4000  }
0x7d: {  	[sflag:s17] =	ssyncset.done $0x0  }
0x7e: {  	[sflag:s17] =	ssyncadd.s32 $0xFFFFC000  }
0x7f: {  	_ =	swait.ge [sflag:s17], $0x4000  }
0x80: {  	[sflag:s17] =	ssyncset.done $0x0  }
0x81: {  	s29 =	simm.s32 $0x10210;
	[sflag:s17] =	ssyncadd.s32 $0xFFFFC000  }
0x82: {  	v1 =	vld [tilespmem:s29+$0x0];
	_ =	sdelay $0x1  }
0x83: {  	s21 =	simm.s32 $0x14210  }
0x84: {  	v2 =	vld [tilespmem:s21+$0x0]  }
0x85: {  	v3 =	vld [tilespmem:s29+$0xFFFFFFF0]  }
0x86: {  	v4 =	vtrunc.f32 v1  }
0x87: {  	s30 =	simm.s32 $0x18210;
	v4 =	vcvt.f32.s32 v4  }
0x88: {  	v5 =	vld [tilespmem:s30+$0x0]  }
0x89: {  	v7 =	vtrunc.f32 v2;
	v6 =	vcvt.s32.f32 v4  }
0x8a: {  	v9 =	vld [tilespmem:s21+$0xFFFFFFF0];
	v8 =	vtrunc.f32 v3;
	v7 =	vcvt.f32.s32 v7  }
0x8b: {  	v4 =	vshll.u32 v4, $0x8;
	v1 =	vsub.f32 v1, v6;
	v6 =	vcvt.f32.s32 v8  }
0x8c: {  	v10 =	vcvt.s32.f32 v7;
	v4 =	vadd.s32 v7, v4;
	v7 =	vand.u32 $0x7F, v7;
	v8 =	vld [tilespmem:s30+$0xFFFFFFF0]  }
0x8d: {  	s31 =	simm.s32 $0x10230;
	v12 =	vand.u32 $0xFFFFFF80, v4;
	v1 =	vmul.f32 v1, v5;
	v11 =	vcvt.s32.f32 v6  }
0x8e: {  	v2 =	vsub.f32 v2, v10;
	v10 =	vld [tilespmem:s31+$0x0];
	v15 =	vadd.s32 $0x1, v4;
	v7 =	vor.u32 v7, v12  }
0x8f: {  	v14 =	vld [tilespmem:s31+$0xFFFFFFF0];
	v5 =	vsub.f32 v5, v1;
	v3 =	vsub.f32 v3, v11;
	v11 =	vtrunc.f32 v9  }
0x90: {  	v12 =	vadd.s32 $0x101, v4;
	v6 =	vshll.u32 v6, $0x8;
	v11 =	vcvt.f32.s32 v11  }
0x91: {  	s20 =	simm.s32 $0x14230;
	v7 =	vadd.s32 $0x100, v7;
	v13 =	vmul.f32 v5, v2;
	v3 =	vmul.f32 v3, v8  }
0x92: {  	v16 =	vld [tilespmem:s20+$0x0];
	v2 =	vmul.f32 v2, v1;
	v17 =	vcvt.s32.f32 v11;
	v18 =	vadd.s32 v11, v6  }
0x93: {  	s21 =	simm.s32 $0x18230;
	v6 =	vtrunc.f32 v10;
	v5 =	vsub.f32 v5, v13;
	v19 =	vsub.f32 v8, v3  }
0x94: {  	v21 =	vld [tilespmem:s21+$0x0];
	v8 =	vtrunc.f32 v14;
	v9 =	vsub.f32 v9, v17;
	v17 =	vcvt.f32.s32 v6  }
0x95: {  	v20 =	vand.u32 $0xFFFFFF80, v18;
	v1 =	vsub.f32 v1, v2;
	[tilespmem:v4+s2+$0x0] =	vst.idx.add.f32.msk $0xffff, v5;
	v4 =	vcvt.f32.s32 v8  }
0x96: {  	v5 =	vand.u32 $0x7F, v11;
	[tilespmem:v15+s2+$0x0] =	vst.idx.add.f32.msk $0xffff, v13;
	v11 =	vcvt.s32.f32 v17;
	v8 =	vmul.f32 v19, v9  }
0x97: {  	v15 =	vor.u32 v5, v20;
	[tilespmem:v7+s2+$0x0] =	vst.idx.add.f32.msk $0xffff, v1;
	v5 =	vcvt.s32.f32 v4;
	v1 =	vtrunc.f32 v16  }
0x98: {  	v7 =	vshll.u32 v4, $0x8;
	[tilespmem:v12+s2+$0x0] =	vst.idx.add.f32.msk $0xffff, v2;
	v4 =	vsub.f32 v10, v11;
	v10 =	vsub.f32 v19, v8  }
0x99: {  	v13 =	vcvt.f32.s32 v1;
	v12 =	vsub.f32 v14, v5;
	v5 =	vld [tilespmem:s20+$0xFFFFFFF0]  }
0x9a: {  	v6 =	vadd.s32 $0x1, v18;
	v1 =	vmul.f32 v9, v3;
	[tilespmem:v18+s2+$0x0] =	vst.idx.add.f32.msk $0xffff, v10  }
0x9b: {  	v17 =	vshll.u32 v17, $0x8;
	v11 =	vcvt.s32.f32 v13;
	v9 =	vmul.f32 v4, v21;
	v10 =	vld [tilespmem:s21+$0xFFFFFFF0]  }
0x9c: {  	v2 =	vadd.s32 $0x100, v15;
	v3 =	vsub.f32 v3, v1;
	v4 =	vadd.s32 $0x101, v18  }
0x9d: {  	s22 =	simm.s32 $0x20;
	s23 =	simm.s32 $0x10250;
	v14 =	vsub.f32 v16, v11;
	v15 =	vsub.f32 v21, v9;
	v11 =	vadd.s32 v13, v17  }
.LBB2_8:
0x9e: {  	v16 =	vld [tilespmem:s23+$0x0];
	v17 =	vtrunc.f32 v5;
	v18 =	vand.u32 $0xFFFFFF80, v11;
	v13 =	vand.u32 $0x7F, v13  }
0x9f: {  	v21 =	vadd.s32 $0x1, v11;
	v19 =	vld [tilespmem:s23+$0xFFFFFFF0];
	v20 =	vmul.f32 v15, v14;
	v13 =	vor.u32 v13, v18  }
0xa0: {  	s21 =	sadd.s32 $0x20, s21;
	v17 =	vcvt.f32.s32 v17;
	v18 =	vmul.f32 v12, v10;
	v12 =	vadd.s32 $0x100, v13;
	[tilespmem:v6+s2+$0x0] =	vst.idx.add.f32.msk $0xffff, v8  }
0xa1: {  	s22 =	sadd.s32 $0x20, s22;
	s20 =	sadd.s32 $0x20, s20;
	v13 =	vmul.f32 v14, v9;
	v14 =	vadd.s32 $0x101, v11;
	v22 =	vld [tilespmem:s21+$0x0];
	v6 =	vsub.f32 v15, v20  }
0xa2: {  	p0 =	slt.u32 s22, $0x3FE0;
	v8 =	vcvt.s32.f32 v17;
	v23 =	vsub.f32 v10, v18;
	v24 =	vadd.s32 v17, v7;
	v15 =	vld [tilespmem:s20+$0x0]  }
0xa3: {  	v10 =	vand.u32 $0xFFFFFF80, v24;
	v9 =	vsub.f32 v9, v13;
	v7 =	vtrunc.f32 v16;
	[tilespmem:v11+s2+$0x0] =	vst.idx.add.f32.msk $0xffff, v6  }
0xa4: {  	v25 =	vsub.f32 v5, v8;
	v6 =	vtrunc.f32 v19;
	v11 =	vcvt.f32.s32 v7;
	[tilespmem:v21+s2+$0x0] =	vst.idx.add.f32.msk $0xffff, v20  }
0xa5: {  	v5 =	vand.u32 $0x7F, v17;
	v7 =	vcvt.f32.s32 v6;
	v6 =	vadd.s32 $0x1, v24;
	[tilespmem:v12+s2+$0x0] =	vst.idx.add.f32.msk $0xffff, v9  }
0xa6: {  	v17 =	vor.u32 v5, v10;
	v8 =	vmul.f32 v23, v25;
	v9 =	vcvt.s32.f32 v11;
	[tilespmem:v14+s2+$0x0] =	vst.idx.add.f32.msk $0xffff, v13  }
0xa7: {  	v5 =	vld [tilespmem:s20+$0xFFFFFFF0];
	v12 =	vcvt.s32.f32 v7;
	v7 =	vshll.u32 v7, $0x8;
	v13 =	vtrunc.f32 v15  }
.Ltmp3:
0xa8: {  	v14 =	vmul.f32 v25, v18;
	v10 =	vld [tilespmem:s21+$0xFFFFFFF0];
	v13 =	vcvt.f32.s32 v13;
	v9 =	vsub.f32 v16, v9;
	(pc) =	sbr.rel @p0 .LBB2_8-.Ltmp3, $4  }
0xa9: {  	v16 =	vsub.f32 v23, v8;
	v12 =	vsub.f32 v19, v12;
	[tilespmem:v2+s2+$0x0] =	vst.idx.add.f32.msk $0xffff, v3;
	v2 =	vadd.s32 $0x100, v17  }
0xaa: {  	v3 =	vsub.f32 v18, v14;
	v17 =	vcvt.s32.f32 v13;
	v9 =	vmul.f32 v9, v22;
	[tilespmem:v4+s2+$0x0] =	vst.idx.add.f32.msk $0xffff, v1  }
0xab: {  	v11 =	vshll.u32 v11, $0x8;
	v4 =	vadd.s32 $0x101, v24;
	v1 =	vmov v14;
	[tilespmem:v24+s2+$0x0] =	vst.idx.add.f32.msk $0xffff, v16  }
0xac: {  	s23 =	sadd.s32 $0x20, s23;
	v11 =	vadd.s32 v13, v11;
	v14 =	vsub.f32 v15, v17;
	v15 =	vsub.f32 v22, v9  }
0xad: {  	_ = 	snop  }
0xae: {  	v16 =	vtrunc.f32 v5  }
0xaf: {  	v17 =	vand.u32 $0xFFFFFF80, v11;
	v13 =	vand.u32 $0x7F, v13;
	v16 =	vcvt.f32.s32 v16  }
0xb0: {  	v19 =	vadd.s32 $0x1, v11;
	v12 =	vmul.f32 v12, v10;
	v56 =	vadd.s32 $0x101, v11  }
0xb1: {  	[tilespmem:v6+s2+$0x0] =	vst.idx.add.f32.msk $0xffff, v8;
	v18 =	vmul.f32 v15, v14;
	v13 =	vor.u32 v13, v17;
	v20 =	vcvt.s32.f32 v16  }
0xb2: {  	v55 =	vmul.f32 v14, v9;
	[tilespmem:v2+s2+$0x0] =	vst.idx.add.f32.msk $0xffff, v3;
	v13 =	vadd.s32 $0x100, v13;
	v57 =	vsub.f32 v10, v12  }
0xb3: {  	v15 =	vsub.f32 v15, v18;
	v7 =	vadd.s32 v16, v7;
	v59 =	vsub.f32 v5, v20  }
0xb4: {  	[tilespmem:v4+s2+$0x0] =	vst.idx.add.f32.msk $0xffff, v1;
	v58 =	vsub.f32 v9, v55;
	v61 =	vand.u32 $0x7F, v16;
	v60 =	vand.u32 $0xFFFFFF80, v7  }
0xb5: {  	v62 =	vadd.s32 $0x1, v7;
	[tilespmem:v11+s2+$0x0] =	vst.idx.add.f32.msk $0xffff, v15;
	v9 =	vor.u32 v61, v60;
	v63 =	vmul.f32 v57, v59  }
0xb6: {  	[tilespmem:v19+s2+$0x0] =	vst.idx.add.f32.msk $0xffff, v18;
	v9 =	vadd.s32 $0x100, v9  }
0xb7: {  	v2 =	vadd.s32 $0x101, v7;
	[tilespmem:v13+s2+$0x0] =	vst.idx.add.f32.msk $0xffff, v58;
	v5 =	vmul.f32 v59, v12;
	v6 =	vsub.f32 v57, v63  }
0xb8: {  	[tilespmem:v56+s2+$0x0] =	vst.idx.add.f32.msk $0xffff, v55  }
0xb9: {  	v1 =	vsub.f32 v12, v5;
	[tilespmem:v7+s2+$0x0] =	vst.idx.add.f32.msk $0xffff, v6  }
0xba: {  	s19 =	sadd.s32 $0x1, s19;
	[tilespmem:v62+s2+$0x0] =	vst.idx.add.f32.msk $0xffff, v63  }
0xbb: {  	p0 =	sne.s32 s19, s11;
	[tilespmem:v9+s2+$0x0] =	vst.idx.add.f32.msk $0xffff, v1  }
.Ltmp4:
0xbc: {  	[tilespmem:v2+s2+$0x0] =	vst.idx.add.f32.msk $0xffff, v5;
	(pc) =	sbr.rel @p0 .LBB2_1-.Ltmp4, $4  }
0xbd: {  	[hbm4b:s10+s12] =	stream.strided.scatter [tilespmem:s2], [sflag:$0x2], $0x10000, s13, s12, $0x38;
	[tilespmem:$0x1C200] =	vst v63  }
0xbe: {  	_ =	swait.ge [sflag:s18], $0x10000  }
0xbf: {  	[sflag:s18] =	ssyncset.done $0x0  }
0xc0: {  	[sflag:s18] =	ssyncadd.s32 $0xFFFF0000  }
0xc1: {  	_ =	sfence.sel $0x180000  }
0xc2: {  	[bflag:$0x0] =	sbarrier.arrive $0xFFFF  }
0xc3: {  	p0 =	sne.s32 s1, $0x0;
	_ =	strace $0x90000047  }
0xc4: {  	s0 =	sadd.s32 @!p0 $0x100000, s0;
	[bflag:$0x2] =	sbarrier.arrive $0xFFFF  }
0xc5: {  	[sflag:s0] =	ssyncadd.tile.s32 @!p0 $0x1;
	_ =	shalt  }
.Lfunc_end2:
_tile_overlayer_lowered:
.L_overlay_start_2:
0xc6: {  	(tag) =	ssettag $0x2  }
0xc7: {  	s0 =	rddreg [dreg:$0x0];
	s2 =	stileid.u32  }
0xc8: {  	s1 =	rddreg [dreg:$0x1];
	p0 =	sne.s32 s2, $0x0  }
0xc9: {  	s3 =	rddreg [dreg:$0x2];
	[bflag:$0x3] =	sbarrier.arrive $0xFFFF;
	s2 =	simm.s32 @!p0 $0x1C02  }
0xca: {  	[timem:s3], [sflag:s2] =	dma.local @!p0 [hbm:s0], s1  }
0xcb: {  	s0 =	simm.s32 @!p0 $0x2  }
0xcc: {  	_ =	swait.ge @!p0 [sflag:s0], s1  }
0xcd: {  	s1 =	ssub.s32 @!p0 $0x0, s1;
	[sflag:s0] =	ssyncset.done @!p0 $0x0  }
0xce: {  	[sflag:s0] =	ssyncadd.s32 @!p0 s1  }
0xcf: {  	[bflag:$0x3] =	sbarrier.arrive $0xFFFF  }
0xd0: {  	_ =	shalt  }

</sc_bundles>
